<compile_context>
chip_gen: v7x
topology: tpu7x:2x2x1
jax: 0.10.2.dev20260603
libtpu: 0.0.44.dev20260713+nightly
codegen_flags: <defaults>
</compile_context>

<pallas_src>
import functools

import jax
import jax.numpy as jnp
from jax import lax
from jax.experimental import pallas as pl
from jax.experimental.pallas import tpu as pltpu
from jax.experimental.pallas import tpu_sc as plsc

T = 2048
HIDDEN = 1024
NUM_HEADS = 16
NUM_KV_HEADS = 4
HEAD_DIM = 64
NUM_EXPERTS = 64
MOE_INTER = 512
ROPE_THETA = 10000.0
EPS = 1e-6

BLK = 128
P = 10240
NB = P // BLK

_HIGH = lax.Precision.DEFAULT


def _attn_body(x_ref, w1_ref, wq_ref, wk_ref, wv_ref, cos_ref, sin_ref, o_ref, h1_ref):
    @pl.when(pl.program_id(0) == 0)
    def _():
        x = x_ref[...]
        v = jnp.mean(x * x, axis=-1, keepdims=True)
        h1_ref[...] = x * lax.rsqrt(v + EPS) * w1_ref[...]

    h1 = h1_ref[...]
    cos = cos_ref[...]
    sin = sin_ref[...]

    def rope(x):
        x1 = x[:, : HEAD_DIM // 2]
        x2 = x[:, HEAD_DIM // 2:]
        return jnp.concatenate([x1 * cos - x2 * sin, x2 * cos + x1 * sin], axis=1)

    dn = (((1,), (1,)), ((), ()))
    q = rope(lax.dot_general(h1, wq_ref[0], dn, precision=_HIGH))
    k = rope(lax.dot_general(h1, wk_ref[0], dn, precision=_HIGH))
    v = lax.dot_general(h1, wv_ref[0], dn, precision=_HIGH)

    s = lax.dot_general(q, k, dn, precision=_HIGH) * (HEAD_DIM ** -0.5)
    ri = lax.broadcasted_iota(jnp.int32, (T, T), 0)
    ci = lax.broadcasted_iota(jnp.int32, (T, T), 1)
    s = jnp.where(ci <= ri, s, -1e9)
    m = jnp.max(s, axis=-1, keepdims=True)
    p = jnp.exp(s - m)
    p = p / jnp.sum(p, axis=-1, keepdims=True)
    o_ref[0] = lax.dot_general(p, v, (((1,), (0,)), ((), ())), precision=_HIGH)


def _attention(x, w1d, wq3, wk3, wv3, cos, sin):
    return pl.pallas_call(
        _attn_body,
        grid=(NUM_HEADS,),
        in_specs=[
            pl.BlockSpec((T, HIDDEN), lambda h: (0, 0)),
            pl.BlockSpec((1, HIDDEN), lambda h: (0, 0)),
            pl.BlockSpec((1, HEAD_DIM, HIDDEN), lambda h: (h, 0, 0)),
            pl.BlockSpec((1, HEAD_DIM, HIDDEN), lambda h: (h // (NUM_HEADS // NUM_KV_HEADS), 0, 0)),
            pl.BlockSpec((1, HEAD_DIM, HIDDEN), lambda h: (h // (NUM_HEADS // NUM_KV_HEADS), 0, 0)),
            pl.BlockSpec((T, HEAD_DIM // 2), lambda h: (0, 0)),
            pl.BlockSpec((T, HEAD_DIM // 2), lambda h: (0, 0)),
        ],
        out_specs=pl.BlockSpec((1, T, HEAD_DIM), lambda h: (h, 0, 0)),
        out_shape=jax.ShapeDtypeStruct((NUM_HEADS, T, HEAD_DIM), jnp.float32),
        scratch_shapes=[pltpu.VMEM((T, HIDDEN), jnp.float32)],
    )(x, w1d, wq3, wk3, wv3, cos, sin)


def _post_body(o_ref, wo_ref, x0_ref, w2_ref, gw_ref, r2_ref, h2_ref, eid_ref):
    dn = (((1,), (1,)), ((), ()))
    attn = x0_ref[...]
    for h in range(NUM_HEADS):
        attn = attn + lax.dot_general(
            o_ref[h], wo_ref[h], (((1,), (0,)), ((), ())), precision=_HIGH)
    r2 = attn
    r2_ref[...] = r2
    v = jnp.mean(r2 * r2, axis=-1, keepdims=True)
    h2 = r2 * lax.rsqrt(v + EPS) * w2_ref[...]
    h2_ref[...] = h2
    logits = lax.dot_general(h2, gw_ref[...], dn, precision=_HIGH)
    m = jnp.max(logits, axis=-1, keepdims=True)
    ci = lax.broadcasted_iota(jnp.int32, logits.shape, 1)
    cand = jnp.where(logits == m, ci, NUM_EXPERTS)
    eid_ref[...] = jnp.min(cand, axis=-1, keepdims=True)


_POST_ROWS = 256


def _post_attn(o3, woh, x0, w2d, gate_w):
    return pl.pallas_call(
        _post_body,
        grid=(T // _POST_ROWS,),
        in_specs=[
            pl.BlockSpec((NUM_HEADS, _POST_ROWS, HEAD_DIM), lambda i: (0, i, 0)),
            pl.BlockSpec((NUM_HEADS, HEAD_DIM, HIDDEN), lambda i: (0, 0, 0)),
            pl.BlockSpec((_POST_ROWS, HIDDEN), lambda i: (i, 0)),
            pl.BlockSpec((1, HIDDEN), lambda i: (0, 0)),
            pl.BlockSpec((NUM_EXPERTS, HIDDEN), lambda i: (0, 0)),
        ],
        out_specs=(
            pl.BlockSpec((_POST_ROWS, HIDDEN), lambda i: (i, 0)),
            pl.BlockSpec((_POST_ROWS, HIDDEN), lambda i: (i, 0)),
            pl.BlockSpec((_POST_ROWS, 1), lambda i: (i, 0)),
        ),
        out_shape=(
            jax.ShapeDtypeStruct((T, HIDDEN), jnp.float32),
            jax.ShapeDtypeStruct((T, HIDDEN), jnp.float32),
            jax.ShapeDtypeStruct((T, 1), jnp.int32),
        ),
    )(o3, woh, x0, w2d, gate_w)


def _moe_body(blk_ref, nbu_ref, xs_ref, wg_ref, wu_ref, wd_ref, o_ref):
    del blk_ref
    b = pl.program_id(0)

    @pl.when(b < nbu_ref[0])
    def _():
        dn = (((1,), (1,)), ((), ()))
        x = xs_ref[...].astype(jnp.bfloat16)
        wg = wg_ref[0].astype(jnp.bfloat16)
        wu = wu_ref[0].astype(jnp.bfloat16)
        wd = wd_ref[0].astype(jnp.bfloat16)
        a = lax.dot_general(x, wg, dn, preferred_element_type=jnp.float32)
        u = lax.dot_general(x, wu, dn, preferred_element_type=jnp.float32)
        h = (a * (1.0 / (1.0 + jnp.exp(-a))) * u).astype(jnp.bfloat16)
        o_ref[...] = lax.dot_general(h, wd, dn, preferred_element_type=jnp.float32)


def _moe_ffn(blk_eid, nbu, xs, w_gate, w_up, w_down):
    grid_spec = pltpu.PrefetchScalarGridSpec(
        num_scalar_prefetch=2,
        grid=(NB,),
        in_specs=[
            pl.BlockSpec((BLK, HIDDEN), lambda b, blk, nbu: (b, 0)),
            pl.BlockSpec((1, MOE_INTER, HIDDEN), lambda b, blk, nbu: (blk[b], 0, 0)),
            pl.BlockSpec((1, MOE_INTER, HIDDEN), lambda b, blk, nbu: (blk[b], 0, 0)),
            pl.BlockSpec((1, HIDDEN, MOE_INTER), lambda b, blk, nbu: (blk[b], 0, 0)),
        ],
        out_specs=pl.BlockSpec((BLK, HIDDEN), lambda b, blk, nbu: (b, 0)),
    )
    return pl.pallas_call(
        _moe_body,
        grid_spec=grid_spec,
        out_shape=jax.ShapeDtypeStruct((P, HIDDEN), jnp.float32),
    )(blk_eid, nbu, xs, w_gate, w_up, w_down)


_SC_CH = 32


def _sc_gather(table, idx3):
    nw, k, ch = idx3.shape
    n = nw * k * ch
    d = table.shape[1]
    info = plsc.get_sparse_core_info()
    mesh = plsc.VectorSubcoreMesh(core_axis_name="c", subcore_axis_name="s")

    @functools.partial(
        pl.kernel,
        mesh=mesh,
        out_type=jax.ShapeDtypeStruct((n, d), table.dtype),
        scratch_types=[
            pltpu.VMEM((ch,), jnp.int32),
            pltpu.VMEM((ch, d), table.dtype),
            pltpu.SemaphoreType.DMA,
        ],
    )
    def gk(table_hbm, idx_hbm, out_hbm, idx_v, rows_v, sem):
        wid = lax.axis_index("s") * info.num_cores + lax.axis_index("c")
        base = wid * (k * ch)
        for j in range(k):
            pltpu.sync_copy(idx_hbm.at[wid, j], idx_v)
            pltpu.async_copy(table_hbm.at[idx_v], rows_v, sem).wait()
            pltpu.sync_copy(rows_v, out_hbm.at[pl.ds(base + j * ch, ch)])

    return gk(table, idx3)


def _sc_scatter(rows, idx3, n_out):
    nw, k, ch = idx3.shape
    d = rows.shape[1]
    info = plsc.get_sparse_core_info()
    mesh = plsc.VectorSubcoreMesh(core_axis_name="c", subcore_axis_name="s")

    @functools.partial(
        pl.kernel,
        mesh=mesh,
        out_type=jax.ShapeDtypeStruct((n_out, d), rows.dtype),
        scratch_types=[
            pltpu.VMEM((ch,), jnp.int32),
            pltpu.VMEM((ch, d), rows.dtype),
            pltpu.SemaphoreType.DMA,
        ],
    )
    def sk(rows_hbm, idx_hbm, out_hbm, idx_v, rows_v, sem):
        wid = lax.axis_index("s") * info.num_cores + lax.axis_index("c")
        base = wid * (k * ch)
        for j in range(k):
            pltpu.sync_copy(idx_hbm.at[wid, j], idx_v)
            pltpu.sync_copy(rows_hbm.at[pl.ds(base + j * ch, ch)], rows_v)
            pltpu.async_copy(rows_v, out_hbm.at[idx_v], sem).wait()

    return sk(rows, idx3)


def _add_body(a_ref, b_ref, o_ref):
    o_ref[...] = a_ref[...] + b_ref[...]


def _residual_add(a, b):
    return pl.pallas_call(
        _add_body,
        out_shape=jax.ShapeDtypeStruct(a.shape, a.dtype),
    )(a, b)


def kernel(positions, hidden_states, ln1_w, wqkv, wo, ln2_w, gate_w, w_gate, w_up, w_down):
    x = hidden_states
    inv_freq = 1.0 / (ROPE_THETA ** (jnp.arange(0, HEAD_DIM, 2, dtype=jnp.float32) / HEAD_DIM))
    freqs = positions.astype(jnp.float32)[:, None] * inv_freq[None, :]
    cos = jnp.cos(freqs)
    sin = jnp.sin(freqs)

    q_size = NUM_HEADS * HEAD_DIM
    kv_size = NUM_KV_HEADS * HEAD_DIM
    wq3 = wqkv[:q_size].reshape(NUM_HEADS, HEAD_DIM, HIDDEN)
    wk3 = wqkv[q_size:q_size + kv_size].reshape(NUM_KV_HEADS, HEAD_DIM, HIDDEN)
    wv3 = wqkv[q_size + kv_size:].reshape(NUM_KV_HEADS, HEAD_DIM, HIDDEN)

    woh = wo.reshape(HIDDEN, NUM_HEADS, HEAD_DIM).transpose(1, 2, 0)

    o3 = _attention(x, ln1_w.reshape(1, HIDDEN), wq3, wk3, wv3, cos, sin)
    r2, h2, eid2 = _post_attn(o3, woh, x, ln2_w.reshape(1, HIDDEN), gate_w)

    eid = eid2[:, 0]
    order = jnp.argsort(eid).astype(jnp.int32)
    sorted_eid = eid[order]
    counts = jnp.bincount(eid, length=NUM_EXPERTS).astype(jnp.int32)
    blocks = (counts + BLK - 1) // BLK
    pad_start = (jnp.cumsum(blocks) - blocks).astype(jnp.int32) * BLK
    seg_start = (jnp.cumsum(counts) - counts).astype(jnp.int32)
    ranks = jnp.arange(T, dtype=jnp.int32) - seg_start[sorted_eid]
    dest = pad_start[sorted_eid] + ranks
    blk_eid = jnp.full((NB,), sorted_eid[-1], jnp.int32).at[dest // BLK].set(sorted_eid)
    nbu = jnp.sum(blocks, dtype=jnp.int32).reshape(1)
    gidx = jnp.zeros((T,), jnp.int32).at[order].set(dest)
    gidx3 = gidx.reshape(32, -1, _SC_CH)

    xs = _sc_scatter(h2, gidx3, P)
    ys = _moe_ffn(blk_eid, nbu, xs, w_gate, w_up, w_down)
    moe_out = _sc_gather(ys, gidx3)
    return _residual_add(r2, moe_out)

# --- scband reference (transcript-rebuilt; emitter-appended) ---
"""Pipeline reference for scband-mixtral-decoder-layer-33535104647333 (READ-ONLY COPY).

The authoritative reference and input builder live on the scoring server;
editing this copy changes nothing except your own understanding.
"""

import jax, jax.numpy as jnp
import numpy as np

T = 2048
HIDDEN = 1024
NUM_HEADS = 16
NUM_KV_HEADS = 4
HEAD_DIM = 64
NUM_EXPERTS = 64
TOP_K = 1
MOE_INTER = 512
ROPE_THETA = 10000.0
EPS = 1e-6


def rmsnorm(x, w, eps=EPS):
    v = jnp.mean(x.astype(jnp.float32) ** 2, axis=-1, keepdims=True)
    return (x * jax.lax.rsqrt(v + eps)) * w


def apply_rope(pos, x):
    d = x.shape[-1]
    inv_freq = 1.0 / (ROPE_THETA ** (jnp.arange(0, d, 2, dtype=jnp.float32) / d))
    freqs = pos.astype(jnp.float32)[:, None] * inv_freq[None, :]
    cos = jnp.cos(freqs)[:, None, :]
    sin = jnp.sin(freqs)[:, None, :]
    x1, x2 = jnp.split(x, 2, axis=-1)
    return jnp.concatenate([x1 * cos - x2 * sin, x2 * cos + x1 * sin], axis=-1)


def attention(positions, h, wqkv, wo):
    n = h.shape[0]
    qkv = h @ wqkv.T
    q_size = NUM_HEADS * HEAD_DIM
    kv_size = NUM_KV_HEADS * HEAD_DIM
    q = qkv[:, :q_size].reshape(n, NUM_HEADS, HEAD_DIM)
    k = qkv[:, q_size:q_size + kv_size].reshape(n, NUM_KV_HEADS, HEAD_DIM)
    v = qkv[:, q_size + kv_size:].reshape(n, NUM_KV_HEADS, HEAD_DIM)
    q = apply_rope(positions, q)
    k = apply_rope(positions, k)
    rep = NUM_HEADS // NUM_KV_HEADS
    k = jnp.repeat(k, rep, axis=1)
    v = jnp.repeat(v, rep, axis=1)
    scale = HEAD_DIM ** -0.5
    scores = jnp.einsum('thd,shd->hts', q, k) * scale
    mask = jnp.tril(jnp.ones((n, n), dtype=bool))
    scores = jnp.where(mask[None, :, :], scores, -1e9)
    p = jax.nn.softmax(scores, axis=-1)
    o = jnp.einsum('hts,shd->thd', p, v).reshape(n, NUM_HEADS * HEAD_DIM)
    return o @ wo.T


def moe(x, gate_w, w_gate, w_up, w_down):
    logits = x @ gate_w.T
    probs = jax.nn.softmax(logits, axis=-1)
    topv, topi = jax.lax.top_k(probs, TOP_K)
    topv = topv / jnp.sum(topv, axis=-1, keepdims=True)
    out = jnp.zeros_like(x)
    for e in range(NUM_EXPERTS):
        w = jnp.sum(jnp.where(topi == e, topv, 0.0), axis=-1)
        hdn = jax.nn.silu(x @ w_gate[e].T) * (x @ w_up[e].T)
        ye = hdn @ w_down[e].T
        out = out + w[:, None] * ye
    return out


def setup_inputs(seed: int = 0) -> dict:
    key = jax.random.key(seed)
    ks = jax.random.split(key, 8)
    positions = jnp.arange(T)
    hidden_states = jax.random.normal(ks[0], (T, HIDDEN), dtype=jnp.float32)
    ln1_w = jnp.ones((HIDDEN,), dtype=jnp.float32)
    ln2_w = jnp.ones((HIDDEN,), dtype=jnp.float32)
    qkv_out = (NUM_HEADS + 2 * NUM_KV_HEADS) * HEAD_DIM
    wqkv = jax.random.normal(ks[1], (qkv_out, HIDDEN), dtype=jnp.float32) * 0.02
    wo = jax.random.normal(ks[2], (HIDDEN, NUM_HEADS * HEAD_DIM), dtype=jnp.float32) * 0.02
    gate_w = jax.random.normal(ks[3], (NUM_EXPERTS, HIDDEN), dtype=jnp.float32) * 0.02
    w_gate = jax.random.normal(ks[4], (NUM_EXPERTS, MOE_INTER, HIDDEN), dtype=jnp.float32) * 0.02
    w_up = jax.random.normal(ks[5], (NUM_EXPERTS, MOE_INTER, HIDDEN), dtype=jnp.float32) * 0.02
    w_down = jax.random.normal(ks[6], (NUM_EXPERTS, HIDDEN, MOE_INTER), dtype=jnp.float32) * 0.02
    return {"positions": positions, "hidden_states": hidden_states, "ln1_w": ln1_w,
            "wqkv": wqkv, "wo": wo, "ln2_w": ln2_w, "gate_w": gate_w,
            "w_gate": w_gate, "w_up": w_up, "w_down": w_down}


def reference(positions, hidden_states, ln1_w, wqkv, wo, ln2_w, gate_w, w_gate, w_up, w_down):
    residual = hidden_states
    h = rmsnorm(hidden_states, ln1_w)
    h = attention(positions, h, wqkv, wo)
    h = residual + h
    residual = h
    h = rmsnorm(h, ln2_w)
    h = moe(h, gate_w, w_gate, w_up, w_down)
    return residual + h

if __name__ == "__main__":
    import jax
    _d = setup_inputs()
    print(jax.jit(kernel)(*tuple(_d.values())))

</pallas_src>

<mosaic_0001>
#map = affine_map<(d0, d1) -> (0, 0)>
#map1 = affine_map<(d0, d1) -> (0, 0, 0)>
module attributes {stable_mosaic.version = 14 : i64} {
  func.func @sk(%arg0: i32, %arg1: i32, %arg2: memref<2048x1024xf32, #tpu.memory_space<hbm>>, %arg3: memref<32x2x32xi32, #tpu.memory_space<hbm>>, %arg4: memref<10240x1024xf32, #tpu.memory_space<hbm>>, %arg5: memref<32xi32, #tpu.memory_space<vmem>>, %arg6: memref<32x1024xf32, #tpu.memory_space<vmem>>, %arg7: memref<!tpu.dma_semaphore, #tpu.memory_space<semaphore_mem>>) attributes {dimension_semantics = [#tpu.dimension_semantics<core_parallel>, #tpu.dimension_semantics<subcore_parallel>], iteration_bounds = array<i64: 2, 16>, scalar_prefetch = 0 : i64, scratch_operands = 3 : i64, tpu.core_type = #tpu.core_type<sc_vector_subcore>, window_params = [{transform_indices = #map}, {transform_indices = #map1}, {transform_indices = #map}]} {
    %mul3A = arith.constant 2 : i32
    %mul3A_0 = arith.muli %arg1, %mul3A : i32
    %add3A = arith.addi %mul3A_0, %arg0 : i32
    %mul3A_1 = arith.constant 64 : i32
    %mul3A_2 = arith.muli %add3A, %mul3A_1 : i32
    %run_scoped3A = arith.constant 0 : i32
    "tpu.region"() ({
      %run_scoped3A_18 = tpu.sem_alloc : memref<!tpu.dma_semaphore, #tpu.memory_space<semaphore_mem>>
      %dma_start3A_19 = arith.constant 0 : i32
      %dma_start3A_20 = tpu.memref_slice %arg3[%add3A, %run_scoped3A, %dma_start3A_19] : memref<32x2x32xi32, #tpu.memory_space<hbm>> -> memref<1x1x32xi32, #tpu.memory_space<hbm>>
      %dma_start3A_21 = tpu.memref_squeeze %dma_start3A_20 : memref<1x1x32xi32, #tpu.memory_space<hbm>> -> memref<32xi32, #tpu.memory_space<hbm>>
      %dma_start3A_22 = arith.constant 0 : i32
      %dma_start3A_23 = tpu.memref_slice %arg3[%add3A, %run_scoped3A, %dma_start3A_22] : memref<32x2x32xi32, #tpu.memory_space<hbm>> -> memref<1x1x32xi32, #tpu.memory_space<hbm>>
      %dma_start3A_24 = tpu.memref_squeeze %dma_start3A_23 : memref<1x1x32xi32, #tpu.memory_space<hbm>> -> memref<32xi32, #tpu.memory_space<hbm>>
      tpu.enqueue_dma source(%dma_start3A_24 : memref<32xi32, #tpu.memory_space<hbm>>) target(%arg5 : memref<32xi32, #tpu.memory_space<vmem>>) target_semaphore(%run_scoped3A_18 : memref<!tpu.dma_semaphore, #tpu.memory_space<semaphore_mem>>)
      %dma_wait3A_25 = arith.constant 0 : i32
      %dma_wait3A_26 = tpu.memref_slice %arg3[%add3A, %run_scoped3A, %dma_wait3A_25] : memref<32x2x32xi32, #tpu.memory_space<hbm>> -> memref<1x1x32xi32, #tpu.memory_space<hbm>>
      %dma_wait3A_27 = tpu.memref_squeeze %dma_wait3A_26 : memref<1x1x32xi32, #tpu.memory_space<hbm>> -> memref<32xi32, #tpu.memory_space<hbm>>
      %dma_wait3A_28 = arith.constant 0 : i32
      %dma_wait3A_29 = tpu.memref_slice %arg3[%add3A, %run_scoped3A, %dma_wait3A_28] : memref<32x2x32xi32, #tpu.memory_space<hbm>> -> memref<1x1x32xi32, #tpu.memory_space<hbm>>
      %dma_wait3A_30 = tpu.memref_squeeze %dma_wait3A_29 : memref<1x1x32xi32, #tpu.memory_space<hbm>> -> memref<32xi32, #tpu.memory_space<hbm>>
      tpu.wait_dma2 semaphore(%run_scoped3A_18 : memref<!tpu.dma_semaphore, #tpu.memory_space<semaphore_mem>>) src(%dma_wait3A_30 : memref<32xi32, #tpu.memory_space<hbm>>) dst(%arg5 : memref<32xi32, #tpu.memory_space<vmem>>)
      tpu.yield
    }) : () -> ()
    %add3A_3 = arith.constant 0 : i32
    %add3A_4 = arith.addi %mul3A_2, %add3A_3 : i32
    "tpu.region"() ({
      %run_scoped3A_18 = tpu.sem_alloc : memref<!tpu.dma_semaphore, #tpu.memory_space<semaphore_mem>>
      %dma_start3A_19 = arith.constant 0 : i32
      %dma_start3A_20 = tpu.memref_slice %arg2[%add3A_4, %dma_start3A_19] : memref<2048x1024xf32, #tpu.memory_space<hbm>> -> memref<32x1024xf32, #tpu.memory_space<hbm>>
      %dma_start3A_21 = arith.constant 0 : i32
      %dma_start3A_22 = tpu.memref_slice %arg2[%add3A_4, %dma_start3A_21] : memref<2048x1024xf32, #tpu.memory_space<hbm>> -> memref<32x1024xf32, #tpu.memory_space<hbm>>
      tpu.enqueue_dma source(%dma_start3A_22 : memref<32x1024xf32, #tpu.memory_space<hbm>>) target(%arg6 : memref<32x1024xf32, #tpu.memory_space<vmem>>) target_semaphore(%run_scoped3A_18 : memref<!tpu.dma_semaphore, #tpu.memory_space<semaphore_mem>>)
      %dma_wait3A_23 = arith.constant 0 : i32
      %dma_wait3A_24 = tpu.memref_slice %arg2[%add3A_4, %dma_wait3A_23] : memref<2048x1024xf32, #tpu.memory_space<hbm>> -> memref<32x1024xf32, #tpu.memory_space<hbm>>
      %dma_wait3A_25 = arith.constant 0 : i32
      %dma_wait3A_26 = tpu.memref_slice %arg2[%add3A_4, %dma_wait3A_25] : memref<2048x1024xf32, #tpu.memory_space<hbm>> -> memref<32x1024xf32, #tpu.memory_space<hbm>>
      tpu.wait_dma2 semaphore(%run_scoped3A_18 : memref<!tpu.dma_semaphore, #tpu.memory_space<semaphore_mem>>) src(%dma_wait3A_26 : memref<32x1024xf32, #tpu.memory_space<hbm>>) dst(%arg6 : memref<32x1024xf32, #tpu.memory_space<vmem>>)
      tpu.yield
    }) : () -> ()
    %dma_start3A = arith.constant 0 : i32
    %dma_start3A_5 = arith.constant 0 : i32
    %dma_start3A_6 = tpu.memref_slice %arg4[%dma_start3A, %dma_start3A_5] : memref<10240x1024xf32, #tpu.memory_space<hbm>> -> memref<10240x1024xf32, #tpu.memory_space<hbm>>
    tpu.enqueue_indirect_dma source(%arg6 : memref<32x1024xf32, #tpu.memory_space<vmem>>) target(%dma_start3A_6 : memref<10240x1024xf32, #tpu.memory_space<hbm>>) offsets(%arg5 : memref<32xi32, #tpu.memory_space<vmem>>) semaphore(%arg7 : memref<!tpu.dma_semaphore, #tpu.memory_space<semaphore_mem>>)
    %dma_wait3A = arith.constant 0 : i32
    %dma_wait3A_7 = arith.constant 0 : i32
    %dma_wait3A_8 = tpu.memref_slice %arg4[%dma_wait3A, %dma_wait3A_7] : memref<10240x1024xf32, #tpu.memory_space<hbm>> -> memref<10240x1024xf32, #tpu.memory_space<hbm>>
    tpu.wait_indirect_dma semaphore(%arg7 : memref<!tpu.dma_semaphore, #tpu.memory_space<semaphore_mem>>) src(%arg6 : memref<32x1024xf32, #tpu.memory_space<vmem>>) dst(%dma_wait3A_8 : memref<10240x1024xf32, #tpu.memory_space<hbm>>)
    %run_scoped3A_9 = arith.constant 1 : i32
    "tpu.region"() ({
      %run_scoped3A_18 = tpu.sem_alloc : memref<!tpu.dma_semaphore, #tpu.memory_space<semaphore_mem>>
      %dma_start3A_19 = arith.constant 0 : i32
      %dma_start3A_20 = tpu.memref_slice %arg3[%add3A, %run_scoped3A_9, %dma_start3A_19] : memref<32x2x32xi32, #tpu.memory_space<hbm>> -> memref<1x1x32xi32, #tpu.memory_space<hbm>>
      %dma_start3A_21 = tpu.memref_squeeze %dma_start3A_20 : memref<1x1x32xi32, #tpu.memory_space<hbm>> -> memref<32xi32, #tpu.memory_space<hbm>>
      %dma_start3A_22 = arith.constant 0 : i32
      %dma_start3A_23 = tpu.memref_slice %arg3[%add3A, %run_scoped3A_9, %dma_start3A_22] : memref<32x2x32xi32, #tpu.memory_space<hbm>> -> memref<1x1x32xi32, #tpu.memory_space<hbm>>
      %dma_start3A_24 = tpu.memref_squeeze %dma_start3A_23 : memref<1x1x32xi32, #tpu.memory_space<hbm>> -> memref<32xi32, #tpu.memory_space<hbm>>
      tpu.enqueue_dma source(%dma_start3A_24 : memref<32xi32, #tpu.memory_space<hbm>>) target(%arg5 : memref<32xi32, #tpu.memory_space<vmem>>) target_semaphore(%run_scoped3A_18 : memref<!tpu.dma_semaphore, #tpu.memory_space<semaphore_mem>>)
      %dma_wait3A_25 = arith.constant 0 : i32
      %dma_wait3A_26 = tpu.memref_slice %arg3[%add3A, %run_scoped3A_9, %dma_wait3A_25] : memref<32x2x32xi32, #tpu.memory_space<hbm>> -> memref<1x1x32xi32, #tpu.memory_space<hbm>>
      %dma_wait3A_27 = tpu.memref_squeeze %dma_wait3A_26 : memref<1x1x32xi32, #tpu.memory_space<hbm>> -> memref<32xi32, #tpu.memory_space<hbm>>
      %dma_wait3A_28 = arith.constant 0 : i32
      %dma_wait3A_29 = tpu.memref_slice %arg3[%add3A, %run_scoped3A_9, %dma_wait3A_28] : memref<32x2x32xi32, #tpu.memory_space<hbm>> -> memref<1x1x32xi32, #tpu.memory_space<hbm>>
      %dma_wait3A_30 = tpu.memref_squeeze %dma_wait3A_29 : memref<1x1x32xi32, #tpu.memory_space<hbm>> -> memref<32xi32, #tpu.memory_space<hbm>>
      tpu.wait_dma2 semaphore(%run_scoped3A_18 : memref<!tpu.dma_semaphore, #tpu.memory_space<semaphore_mem>>) src(%dma_wait3A_30 : memref<32xi32, #tpu.memory_space<hbm>>) dst(%arg5 : memref<32xi32, #tpu.memory_space<vmem>>)
      tpu.yield
    }) : () -> ()
    %add3A_10 = arith.constant 32 : i32
    %add3A_11 = arith.addi %mul3A_2, %add3A_10 : i32
    "tpu.region"() ({
      %run_scoped3A_18 = tpu.sem_alloc : memref<!tpu.dma_semaphore, #tpu.memory_space<semaphore_mem>>
      %dma_start3A_19 = arith.constant 0 : i32
      %dma_start3A_20 = tpu.memref_slice %arg2[%add3A_11, %dma_start3A_19] : memref<2048x1024xf32, #tpu.memory_space<hbm>> -> memref<32x1024xf32, #tpu.memory_space<hbm>>
      %dma_start3A_21 = arith.constant 0 : i32
      %dma_start3A_22 = tpu.memref_slice %arg2[%add3A_11, %dma_start3A_21] : memref<2048x1024xf32, #tpu.memory_space<hbm>> -> memref<32x1024xf32, #tpu.memory_space<hbm>>
      tpu.enqueue_dma source(%dma_start3A_22 : memref<32x1024xf32, #tpu.memory_space<hbm>>) target(%arg6 : memref<32x1024xf32, #tpu.memory_space<vmem>>) target_semaphore(%run_scoped3A_18 : memref<!tpu.dma_semaphore, #tpu.memory_space<semaphore_mem>>)
      %dma_wait3A_23 = arith.constant 0 : i32
      %dma_wait3A_24 = tpu.memref_slice %arg2[%add3A_11, %dma_wait3A_23] : memref<2048x1024xf32, #tpu.memory_space<hbm>> -> memref<32x1024xf32, #tpu.memory_space<hbm>>
      %dma_wait3A_25 = arith.constant 0 : i32
      %dma_wait3A_26 = tpu.memref_slice %arg2[%add3A_11, %dma_wait3A_25] : memref<2048x1024xf32, #tpu.memory_space<hbm>> -> memref<32x1024xf32, #tpu.memory_space<hbm>>
      tpu.wait_dma2 semaphore(%run_scoped3A_18 : memref<!tpu.dma_semaphore, #tpu.memory_space<semaphore_mem>>) src(%dma_wait3A_26 : memref<32x1024xf32, #tpu.memory_space<hbm>>) dst(%arg6 : memref<32x1024xf32, #tpu.memory_space<vmem>>)
      tpu.yield
    }) : () -> ()
    %dma_start3A_12 = arith.constant 0 : i32
    %dma_start3A_13 = arith.constant 0 : i32
    %dma_start3A_14 = tpu.memref_slice %arg4[%dma_start3A_12, %dma_start3A_13] : memref<10240x1024xf32, #tpu.memory_space<hbm>> -> memref<10240x1024xf32, #tpu.memory_space<hbm>>
    tpu.enqueue_indirect_dma source(%arg6 : memref<32x1024xf32, #tpu.memory_space<vmem>>) target(%dma_start3A_14 : memref<10240x1024xf32, #tpu.memory_space<hbm>>) offsets(%arg5 : memref<32xi32, #tpu.memory_space<vmem>>) semaphore(%arg7 : memref<!tpu.dma_semaphore, #tpu.memory_space<semaphore_mem>>)
    %dma_wait3A_15 = arith.constant 0 : i32
    %dma_wait3A_16 = arith.constant 0 : i32
    %dma_wait3A_17 = tpu.memref_slice %arg4[%dma_wait3A_15, %dma_wait3A_16] : memref<10240x1024xf32, #tpu.memory_space<hbm>> -> memref<10240x1024xf32, #tpu.memory_space<hbm>>
    tpu.wait_indirect_dma semaphore(%arg7 : memref<!tpu.dma_semaphore, #tpu.memory_space<semaphore_mem>>) src(%arg6 : memref<32x1024xf32, #tpu.memory_space<vmem>>) dst(%dma_wait3A_17 : memref<10240x1024xf32, #tpu.memory_space<hbm>>)
    return
  }
}

#map = affine_map<(d0, d1) -> (0, 0)>
#map1 = affine_map<(d0, d1) -> (0, 0, 0)>
module attributes {stable_mosaic.version = 14 : i64} {
  func.func @gk(%arg0: i32, %arg1: i32, %arg2: memref<10240x1024xf32, #tpu.memory_space<hbm>>, %arg3: memref<32x2x32xi32, #tpu.memory_space<hbm>>, %arg4: memref<2048x1024xf32, #tpu.memory_space<hbm>>, %arg5: memref<32xi32, #tpu.memory_space<vmem>>, %arg6: memref<32x1024xf32, #tpu.memory_space<vmem>>, %arg7: memref<!tpu.dma_semaphore, #tpu.memory_space<semaphore_mem>>) attributes {dimension_semantics = [#tpu.dimension_semantics<core_parallel>, #tpu.dimension_semantics<subcore_parallel>], iteration_bounds = array<i64: 2, 16>, scalar_prefetch = 0 : i64, scratch_operands = 3 : i64, tpu.core_type = #tpu.core_type<sc_vector_subcore>, window_params = [{transform_indices = #map}, {transform_indices = #map1}, {transform_indices = #map}]} {
    %mul3A = arith.constant 2 : i32
    %mul3A_0 = arith.muli %arg1, %mul3A : i32
    %add3A = arith.addi %mul3A_0, %arg0 : i32
    %mul3A_1 = arith.constant 64 : i32
    %mul3A_2 = arith.muli %add3A, %mul3A_1 : i32
    %run_scoped3A = arith.constant 0 : i32
    "tpu.region"() ({
      %run_scoped3A_18 = tpu.sem_alloc : memref<!tpu.dma_semaphore, #tpu.memory_space<semaphore_mem>>
      %dma_start3A_19 = arith.constant 0 : i32
      %dma_start3A_20 = tpu.memref_slice %arg3[%add3A, %run_scoped3A, %dma_start3A_19] : memref<32x2x32xi32, #tpu.memory_space<hbm>> -> memref<1x1x32xi32, #tpu.memory_space<hbm>>
      %dma_start3A_21 = tpu.memref_squeeze %dma_start3A_20 : memref<1x1x32xi32, #tpu.memory_space<hbm>> -> memref<32xi32, #tpu.memory_space<hbm>>
      %dma_start3A_22 = arith.constant 0 : i32
      %dma_start3A_23 = tpu.memref_slice %arg3[%add3A, %run_scoped3A, %dma_start3A_22] : memref<32x2x32xi32, #tpu.memory_space<hbm>> -> memref<1x1x32xi32, #tpu.memory_space<hbm>>
      %dma_start3A_24 = tpu.memref_squeeze %dma_start3A_23 : memref<1x1x32xi32, #tpu.memory_space<hbm>> -> memref<32xi32, #tpu.memory_space<hbm>>
      tpu.enqueue_dma source(%dma_start3A_24 : memref<32xi32, #tpu.memory_space<hbm>>) target(%arg5 : memref<32xi32, #tpu.memory_space<vmem>>) target_semaphore(%run_scoped3A_18 : memref<!tpu.dma_semaphore, #tpu.memory_space<semaphore_mem>>)
      %dma_wait3A_25 = arith.constant 0 : i32
      %dma_wait3A_26 = tpu.memref_slice %arg3[%add3A, %run_scoped3A, %dma_wait3A_25] : memref<32x2x32xi32, #tpu.memory_space<hbm>> -> memref<1x1x32xi32, #tpu.memory_space<hbm>>
      %dma_wait3A_27 = tpu.memref_squeeze %dma_wait3A_26 : memref<1x1x32xi32, #tpu.memory_space<hbm>> -> memref<32xi32, #tpu.memory_space<hbm>>
      %dma_wait3A_28 = arith.constant 0 : i32
      %dma_wait3A_29 = tpu.memref_slice %arg3[%add3A, %run_scoped3A, %dma_wait3A_28] : memref<32x2x32xi32, #tpu.memory_space<hbm>> -> memref<1x1x32xi32, #tpu.memory_space<hbm>>
      %dma_wait3A_30 = tpu.memref_squeeze %dma_wait3A_29 : memref<1x1x32xi32, #tpu.memory_space<hbm>> -> memref<32xi32, #tpu.memory_space<hbm>>
      tpu.wait_dma2 semaphore(%run_scoped3A_18 : memref<!tpu.dma_semaphore, #tpu.memory_space<semaphore_mem>>) src(%dma_wait3A_30 : memref<32xi32, #tpu.memory_space<hbm>>) dst(%arg5 : memref<32xi32, #tpu.memory_space<vmem>>)
      tpu.yield
    }) : () -> ()
    %dma_start3A = arith.constant 0 : i32
    %dma_start3A_3 = arith.constant 0 : i32
    %dma_start3A_4 = tpu.memref_slice %arg2[%dma_start3A, %dma_start3A_3] : memref<10240x1024xf32, #tpu.memory_space<hbm>> -> memref<10240x1024xf32, #tpu.memory_space<hbm>>
    tpu.enqueue_indirect_dma source(%dma_start3A_4 : memref<10240x1024xf32, #tpu.memory_space<hbm>>) target(%arg6 : memref<32x1024xf32, #tpu.memory_space<vmem>>) offsets(%arg5 : memref<32xi32, #tpu.memory_space<vmem>>) semaphore(%arg7 : memref<!tpu.dma_semaphore, #tpu.memory_space<semaphore_mem>>)
    %dma_wait3A = arith.constant 0 : i32
    %dma_wait3A_5 = arith.constant 0 : i32
    %dma_wait3A_6 = tpu.memref_slice %arg2[%dma_wait3A, %dma_wait3A_5] : memref<10240x1024xf32, #tpu.memory_space<hbm>> -> memref<10240x1024xf32, #tpu.memory_space<hbm>>
    tpu.wait_indirect_dma semaphore(%arg7 : memref<!tpu.dma_semaphore, #tpu.memory_space<semaphore_mem>>) src(%dma_wait3A_6 : memref<10240x1024xf32, #tpu.memory_space<hbm>>) dst(%arg6 : memref<32x1024xf32, #tpu.memory_space<vmem>>)
    %add3A_7 = arith.constant 0 : i32
    %add3A_8 = arith.addi %mul3A_2, %add3A_7 : i32
    "tpu.region"() ({
      %run_scoped3A_18 = tpu.sem_alloc : memref<!tpu.dma_semaphore, #tpu.memory_space<semaphore_mem>>
      %dma_start3A_19 = arith.constant 0 : i32
      %dma_start3A_20 = tpu.memref_slice %arg4[%add3A_8, %dma_start3A_19] : memref<2048x1024xf32, #tpu.memory_space<hbm>> -> memref<32x1024xf32, #tpu.memory_space<hbm>>
      %dma_start3A_21 = arith.constant 0 : i32
      %dma_start3A_22 = tpu.memref_slice %arg4[%add3A_8, %dma_start3A_21] : memref<2048x1024xf32, #tpu.memory_space<hbm>> -> memref<32x1024xf32, #tpu.memory_space<hbm>>
      tpu.enqueue_dma source(%arg6 : memref<32x1024xf32, #tpu.memory_space<vmem>>) target(%dma_start3A_22 : memref<32x1024xf32, #tpu.memory_space<hbm>>) target_semaphore(%run_scoped3A_18 : memref<!tpu.dma_semaphore, #tpu.memory_space<semaphore_mem>>)
      %dma_wait3A_23 = arith.constant 0 : i32
      %dma_wait3A_24 = tpu.memref_slice %arg4[%add3A_8, %dma_wait3A_23] : memref<2048x1024xf32, #tpu.memory_space<hbm>> -> memref<32x1024xf32, #tpu.memory_space<hbm>>
      %dma_wait3A_25 = arith.constant 0 : i32
      %dma_wait3A_26 = tpu.memref_slice %arg4[%add3A_8, %dma_wait3A_25] : memref<2048x1024xf32, #tpu.memory_space<hbm>> -> memref<32x1024xf32, #tpu.memory_space<hbm>>
      tpu.wait_dma2 semaphore(%run_scoped3A_18 : memref<!tpu.dma_semaphore, #tpu.memory_space<semaphore_mem>>) src(%arg6 : memref<32x1024xf32, #tpu.memory_space<vmem>>) dst(%dma_wait3A_26 : memref<32x1024xf32, #tpu.memory_space<hbm>>)
      tpu.yield
    }) : () -> ()
    %run_scoped3A_9 = arith.constant 1 : i32
    "tpu.region"() ({
      %run_scoped3A_18 = tpu.sem_alloc : memref<!tpu.dma_semaphore, #tpu.memory_space<semaphore_mem>>
      %dma_start3A_19 = arith.constant 0 : i32
      %dma_start3A_20 = tpu.memref_slice %arg3[%add3A, %run_scoped3A_9, %dma_start3A_19] : memref<32x2x32xi32, #tpu.memory_space<hbm>> -> memref<1x1x32xi32, #tpu.memory_space<hbm>>
      %dma_start3A_21 = tpu.memref_squeeze %dma_start3A_20 : memref<1x1x32xi32, #tpu.memory_space<hbm>> -> memref<32xi32, #tpu.memory_space<hbm>>
      %dma_start3A_22 = arith.constant 0 : i32
      %dma_start3A_23 = tpu.memref_slice %arg3[%add3A, %run_scoped3A_9, %dma_start3A_22] : memref<32x2x32xi32, #tpu.memory_space<hbm>> -> memref<1x1x32xi32, #tpu.memory_space<hbm>>
      %dma_start3A_24 = tpu.memref_squeeze %dma_start3A_23 : memref<1x1x32xi32, #tpu.memory_space<hbm>> -> memref<32xi32, #tpu.memory_space<hbm>>
      tpu.enqueue_dma source(%dma_start3A_24 : memref<32xi32, #tpu.memory_space<hbm>>) target(%arg5 : memref<32xi32, #tpu.memory_space<vmem>>) target_semaphore(%run_scoped3A_18 : memref<!tpu.dma_semaphore, #tpu.memory_space<semaphore_mem>>)
      %dma_wait3A_25 = arith.constant 0 : i32
      %dma_wait3A_26 = tpu.memref_slice %arg3[%add3A, %run_scoped3A_9, %dma_wait3A_25] : memref<32x2x32xi32, #tpu.memory_space<hbm>> -> memref<1x1x32xi32, #tpu.memory_space<hbm>>
      %dma_wait3A_27 = tpu.memref_squeeze %dma_wait3A_26 : memref<1x1x32xi32, #tpu.memory_space<hbm>> -> memref<32xi32, #tpu.memory_space<hbm>>
      %dma_wait3A_28 = arith.constant 0 : i32
      %dma_wait3A_29 = tpu.memref_slice %arg3[%add3A, %run_scoped3A_9, %dma_wait3A_28] : memref<32x2x32xi32, #tpu.memory_space<hbm>> -> memref<1x1x32xi32, #tpu.memory_space<hbm>>
      %dma_wait3A_30 = tpu.memref_squeeze %dma_wait3A_29 : memref<1x1x32xi32, #tpu.memory_space<hbm>> -> memref<32xi32, #tpu.memory_space<hbm>>
      tpu.wait_dma2 semaphore(%run_scoped3A_18 : memref<!tpu.dma_semaphore, #tpu.memory_space<semaphore_mem>>) src(%dma_wait3A_30 : memref<32xi32, #tpu.memory_space<hbm>>) dst(%arg5 : memref<32xi32, #tpu.memory_space<vmem>>)
      tpu.yield
    }) : () -> ()
    %dma_start3A_10 = arith.constant 0 : i32
    %dma_start3A_11 = arith.constant 0 : i32
    %dma_start3A_12 = tpu.memref_slice %arg2[%dma_start3A_10, %dma_start3A_11] : memref<10240x1024xf32, #tpu.memory_space<hbm>> -> memref<10240x1024xf32, #tpu.memory_space<hbm>>
    tpu.enqueue_indirect_dma source(%dma_start3A_12 : memref<10240x1024xf32, #tpu.memory_space<hbm>>) target(%arg6 : memref<32x1024xf32, #tpu.memory_space<vmem>>) offsets(%arg5 : memref<32xi32, #tpu.memory_space<vmem>>) semaphore(%arg7 : memref<!tpu.dma_semaphore, #tpu.memory_space<semaphore_mem>>)
    %dma_wait3A_13 = arith.constant 0 : i32
    %dma_wait3A_14 = arith.constant 0 : i32
    %dma_wait3A_15 = tpu.memref_slice %arg2[%dma_wait3A_13, %dma_wait3A_14] : memref<10240x1024xf32, #tpu.memory_space<hbm>> -> memref<10240x1024xf32, #tpu.memory_space<hbm>>
    tpu.wait_indirect_dma semaphore(%arg7 : memref<!tpu.dma_semaphore, #tpu.memory_space<semaphore_mem>>) src(%dma_wait3A_15 : memref<10240x1024xf32, #tpu.memory_space<hbm>>) dst(%arg6 : memref<32x1024xf32, #tpu.memory_space<vmem>>)
    %add3A_16 = arith.constant 32 : i32
    %add3A_17 = arith.addi %mul3A_2, %add3A_16 : i32
    "tpu.region"() ({
      %run_scoped3A_18 = tpu.sem_alloc : memref<!tpu.dma_semaphore, #tpu.memory_space<semaphore_mem>>
      %dma_start3A_19 = arith.constant 0 : i32
      %dma_start3A_20 = tpu.memref_slice %arg4[%add3A_17, %dma_start3A_19] : memref<2048x1024xf32, #tpu.memory_space<hbm>> -> memref<32x1024xf32, #tpu.memory_space<hbm>>
      %dma_start3A_21 = arith.constant 0 : i32
      %dma_start3A_22 = tpu.memref_slice %arg4[%add3A_17, %dma_start3A_21] : memref<2048x1024xf32, #tpu.memory_space<hbm>> -> memref<32x1024xf32, #tpu.memory_space<hbm>>
      tpu.enqueue_dma source(%arg6 : memref<32x1024xf32, #tpu.memory_space<vmem>>) target(%dma_start3A_22 : memref<32x1024xf32, #tpu.memory_space<hbm>>) target_semaphore(%run_scoped3A_18 : memref<!tpu.dma_semaphore, #tpu.memory_space<semaphore_mem>>)
      %dma_wait3A_23 = arith.constant 0 : i32
      %dma_wait3A_24 = tpu.memref_slice %arg4[%add3A_17, %dma_wait3A_23] : memref<2048x1024xf32, #tpu.memory_space<hbm>> -> memref<32x1024xf32, #tpu.memory_space<hbm>>
      %dma_wait3A_25 = arith.constant 0 : i32
      %dma_wait3A_26 = tpu.memref_slice %arg4[%add3A_17, %dma_wait3A_25] : memref<2048x1024xf32, #tpu.memory_space<hbm>> -> memref<32x1024xf32, #tpu.memory_space<hbm>>
      tpu.wait_dma2 semaphore(%run_scoped3A_18 : memref<!tpu.dma_semaphore, #tpu.memory_space<semaphore_mem>>) src(%arg6 : memref<32x1024xf32, #tpu.memory_space<vmem>>) dst(%dma_wait3A_26 : memref<32x1024xf32, #tpu.memory_space<hbm>>)
      tpu.yield
    }) : () -> ()
    return
  }
}

module attributes {stable_mosaic.version = 14 : i64} {
  func.func @_attn_body(%arg0: i32, %arg1: memref<2048x1024xf32, #tpu.memory_space<vmem>>, %arg2: memref<1x1024xf32, #tpu.memory_space<vmem>>, %arg3: memref<1x64x1024xf32, #tpu.memory_space<vmem>>, %arg4: memref<1x64x1024xf32, #tpu.memory_space<vmem>>, %arg5: memref<1x64x1024xf32, #tpu.memory_space<vmem>>, %arg6: memref<2048x32xf32, #tpu.memory_space<vmem>>, %arg7: memref<2048x32xf32, #tpu.memory_space<vmem>>, %arg8: memref<1x2048x64xf32, #tpu.memory_space<vmem>>, %arg9: memref<2048x1024xf32, #tpu.memory_space<vmem>>) attributes {dimension_semantics = [#tpu.dimension_semantics<arbitrary>], iteration_bounds = array<i64: 16>, scalar_prefetch = 0 : i64, scratch_operands = 1 : i64, tpu.core_type = #tpu.core_type<tc>, window_params = [{pipeline_mode = #tpu.pipeline_mode<synchronous>, transform_indices = @transform_0, window_bounds = array<i64: 2048, 1024>}, {pipeline_mode = #tpu.pipeline_mode<synchronous>, transform_indices = @transform_1, window_bounds = array<i64: 1, 1024>}, {transform_indices = @transform_2, window_bounds = array<i64: 1, 64, 1024>}, {transform_indices = @transform_3, window_bounds = array<i64: 1, 64, 1024>}, {transform_indices = @transform_4, window_bounds = array<i64: 1, 64, 1024>}, {pipeline_mode = #tpu.pipeline_mode<synchronous>, transform_indices = @transform_5, window_bounds = array<i64: 2048, 32>}, {pipeline_mode = #tpu.pipeline_mode<synchronous>, transform_indices = @transform_6, window_bounds = array<i64: 2048, 32>}, {transform_indices = @transform_7, window_bounds = array<i64: 1, 2048, 64>}]} {
    %eq3A = arith.constant 0 : i32
    %eq3A_0 = arith.cmpi eq, %arg0, %eq3A : i32
    %convert_element_type3A = arith.extui %eq3A_0 : i1 to i32
    %cond3A = arith.constant 0 : i32
    %cond3A_1 = arith.cmpi ne, %convert_element_type3A, %cond3A : i32
    scf.if %cond3A_1 {
      %get3A_63 = arith.constant 0 : index
      %get3A_64 = arith.constant 0 : index
      %get3A_65 = vector.load %arg1[%get3A_63, %get3A_64] : memref<2048x1024xf32, #tpu.memory_space<vmem>>, vector<2048x1024xf32>
      %mul3A_66 = arith.mulf %get3A_65, %get3A_65 : vector<2048x1024xf32>
      %reduce_sum3A_67 = arith.constant dense<0.000000e+00> : vector<2048xf32>
      %reduce_sum3A_68 = vector.multi_reduction <add>, %mul3A_66, %reduce_sum3A_67 [1] : vector<2048x1024xf32> to vector<2048xf32>
      %broadcast_in_dim3A_69 = vector.shape_cast %reduce_sum3A_68 : vector<2048xf32> to vector<2048x1xf32>
      %div3A_70 = arith.constant 1.024000e+03 : f32
      %div3A_71 = vector.broadcast %div3A_70 : f32 to vector<2048x1xf32>
      %div3A_72 = arith.divf %broadcast_in_dim3A_69, %div3A_71 : vector<2048x1xf32>
      %add3A_73 = arith.constant 9.99999997E-7 : f32
      %add3A_74 = vector.broadcast %add3A_73 : f32 to vector<2048x1xf32>
      %add3A_75 = arith.addf %div3A_72, %add3A_74 : vector<2048x1xf32>
      %rsqrt3A = math.rsqrt %add3A_75 : vector<2048x1xf32>
      %mul3A_76 = vector.broadcast %rsqrt3A : vector<2048x1xf32> to vector<2048x1024xf32>
      %mul3A_77 = arith.mulf %get3A_65, %mul3A_76 : vector<2048x1024xf32>
      %get3A_78 = arith.constant 0 : index
      %get3A_79 = arith.constant 0 : index
      %get3A_80 = vector.load %arg2[%get3A_78, %get3A_79] : memref<1x1024xf32, #tpu.memory_space<vmem>>, vector<1x1024xf32>
      %mul3A_81 = vector.broadcast %get3A_80 : vector<1x1024xf32> to vector<2048x1024xf32>
      %mul3A_82 = arith.mulf %mul3A_77, %mul3A_81 : vector<2048x1024xf32>
      %swap3A_83 = arith.constant 0 : index
      %swap3A_84 = arith.constant 0 : index
      %swap3A_85 = vector.load %arg9[%swap3A_83, %swap3A_84] : memref<2048x1024xf32, #tpu.memory_space<vmem>>, vector<2048x1024xf32>
      tpu.vector_store %arg9[%swap3A_83, %swap3A_84], %mul3A_82 {strides = array<i32>} : memref<2048x1024xf32, #tpu.memory_space<vmem>>, vector<2048x1024xf32>,
    } else {
    }
    %get3A = arith.constant 0 : index
    %get3A_2 = arith.constant 0 : index
    %get3A_3 = vector.load %arg9[%get3A, %get3A_2] : memref<2048x1024xf32, #tpu.memory_space<vmem>>, vector<2048x1024xf32>
    %get3A_4 = arith.constant 0 : index
    %get3A_5 = arith.constant 0 : index
    %get3A_6 = vector.load %arg6[%get3A_4, %get3A_5] : memref<2048x32xf32, #tpu.memory_space<vmem>>, vector<2048x32xf32>
    %get3A_7 = arith.constant 0 : index
    %get3A_8 = arith.constant 0 : index
    %get3A_9 = vector.load %arg7[%get3A_7, %get3A_8] : memref<2048x32xf32, #tpu.memory_space<vmem>>, vector<2048x32xf32>
    %get3A_10 = arith.constant 0 : index
    %get3A_11 = arith.constant 0 : index
    %get3A_12 = arith.constant 0 : index
    %get3A_13 = vector.load %arg3[%get3A_10, %get3A_11, %get3A_12] : memref<1x64x1024xf32, #tpu.memory_space<vmem>>, vector<1x64x1024xf32>
    %get3A_14 = vector.shape_cast %get3A_13 : vector<1x64x1024xf32> to vector<64x1024xf32>
    %dot_general3A = arith.constant dense<0.000000e+00> : vector<2048x64xf32>
    %dot_general3A_15 = tpu.matmul %get3A_3, %get3A_14, %dot_general3A {dimension_numbers = #tpu.dot_dimension_numbers<[1], [1], [0], [0], [0, 0, 1, 0], [], []>, transpose_lhs_hint = false} : vector<2048x1024xf32>, vector<64x1024xf32>, vector<2048x64xf32> -> vector<2048x64xf32>
    %slice3A = vector.extract_strided_slice %dot_general3A_15 {offsets = [0, 0], sizes = [2048, 32], strides = [1, 1]} : vector<2048x64xf32> to vector<2048x32xf32>
    %slice3A_16 = vector.extract_strided_slice %dot_general3A_15 {offsets = [0, 32], sizes = [2048, 32], strides = [1, 1]} : vector<2048x64xf32> to vector<2048x32xf32>
    %mul3A = arith.mulf %slice3A, %get3A_6 : vector<2048x32xf32>
    %mul3A_17 = arith.mulf %slice3A_16, %get3A_9 : vector<2048x32xf32>
    %sub3A = arith.subf %mul3A, %mul3A_17 : vector<2048x32xf32>
    %mul3A_18 = arith.mulf %slice3A_16, %get3A_6 : vector<2048x32xf32>
    %mul3A_19 = arith.mulf %slice3A, %get3A_9 : vector<2048x32xf32>
    %add3A = arith.addf %mul3A_18, %mul3A_19 : vector<2048x32xf32>
    %concatenate3A = tpu.concatenate %sub3A, %add3A in 1 : vector<2048x32xf32>, vector<2048x32xf32> -> vector<2048x64xf32>
    %get3A_20 = arith.constant 0 : index
    %get3A_21 = arith.constant 0 : index
    %get3A_22 = arith.constant 0 : index
    %get3A_23 = vector.load %arg4[%get3A_20, %get3A_21, %get3A_22] : memref<1x64x1024xf32, #tpu.memory_space<vmem>>, vector<1x64x1024xf32>
    %get3A_24 = vector.shape_cast %get3A_23 : vector<1x64x1024xf32> to vector<64x1024xf32>
    %dot_general3A_25 = arith.constant dense<0.000000e+00> : vector<2048x64xf32>
    %dot_general3A_26 = tpu.matmul %get3A_3, %get3A_24, %dot_general3A_25 {dimension_numbers = #tpu.dot_dimension_numbers<[1], [1], [0], [0], [0, 0, 1, 0], [], []>, transpose_lhs_hint = false} : vector<2048x1024xf32>, vector<64x1024xf32>, vector<2048x64xf32> -> vector<2048x64xf32>
    %slice3A_27 = vector.extract_strided_slice %dot_general3A_26 {offsets = [0, 0], sizes = [2048, 32], strides = [1, 1]} : vector<2048x64xf32> to vector<2048x32xf32>
    %slice3A_28 = vector.extract_strided_slice %dot_general3A_26 {offsets = [0, 32], sizes = [2048, 32], strides = [1, 1]} : vector<2048x64xf32> to vector<2048x32xf32>
    %mul3A_29 = arith.mulf %slice3A_27, %get3A_6 : vector<2048x32xf32>
    %mul3A_30 = arith.mulf %slice3A_28, %get3A_9 : vector<2048x32xf32>
    %sub3A_31 = arith.subf %mul3A_29, %mul3A_30 : vector<2048x32xf32>
    %mul3A_32 = arith.mulf %slice3A_28, %get3A_6 : vector<2048x32xf32>
    %mul3A_33 = arith.mulf %slice3A_27, %get3A_9 : vector<2048x32xf32>
    %add3A_34 = arith.addf %mul3A_32, %mul3A_33 : vector<2048x32xf32>
    %concatenate3A_35 = tpu.concatenate %sub3A_31, %add3A_34 in 1 : vector<2048x32xf32>, vector<2048x32xf32> -> vector<2048x64xf32>
    %get3A_36 = arith.constant 0 : index
    %get3A_37 = arith.constant 0 : index
    %get3A_38 = arith.constant 0 : index
    %get3A_39 = vector.load %arg5[%get3A_36, %get3A_37, %get3A_38] : memref<1x64x1024xf32, #tpu.memory_space<vmem>>, vector<1x64x1024xf32>
    %get3A_40 = vector.shape_cast %get3A_39 : vector<1x64x1024xf32> to vector<64x1024xf32>
    %dot_general3A_41 = arith.constant dense<0.000000e+00> : vector<2048x64xf32>
    %dot_general3A_42 = tpu.matmul %get3A_3, %get3A_40, %dot_general3A_41 {dimension_numbers = #tpu.dot_dimension_numbers<[1], [1], [0], [0], [0, 0, 1, 0], [], []>, transpose_lhs_hint = false} : vector<2048x1024xf32>, vector<64x1024xf32>, vector<2048x64xf32> -> vector<2048x64xf32>
    %dot_general3A_43 = arith.constant dense<0.000000e+00> : vector<2048x2048xf32>
    %dot_general3A_44 = tpu.matmul %concatenate3A, %concatenate3A_35, %dot_general3A_43 {dimension_numbers = #tpu.dot_dimension_numbers<[1], [1], [0], [0], [0, 0, 1, 0], [], []>, transpose_lhs_hint = false} : vector<2048x64xf32>, vector<2048x64xf32>, vector<2048x2048xf32> -> vector<2048x2048xf32>
    %mul3A_45 = arith.constant 1.250000e-01 : f32
    %mul3A_46 = vector.broadcast %mul3A_45 : f32 to vector<2048x2048xf32>
    %mul3A_47 = arith.mulf %dot_general3A_44, %mul3A_46 : vector<2048x2048xf32>
    %iota3A = tpu.iota {dimensions = array<i32: 0>} : vector<2048x2048xi32>
    %iota3A_48 = tpu.iota {dimensions = array<i32: 1>} : vector<2048x2048xi32>
    %le3A = arith.cmpi sle, %iota3A_48, %iota3A : vector<2048x2048xi32>
    %jit3A = arith.constant -1.000000e+09 : f32
    %broadcast_in_dim3A = vector.broadcast %jit3A : f32 to vector<2048x2048xf32>
    %select_n3A = arith.select %le3A, %mul3A_47, %broadcast_in_dim3A : vector<2048x2048xi1>, vector<2048x2048xf32>
    %reduce_max3A = arith.constant dense<0xFF800000> : vector<2048xf32>
    %reduce_max3A_49 = vector.multi_reduction <maximumf>, %select_n3A, %reduce_max3A [1] : vector<2048x2048xf32> to vector<2048xf32>
    %broadcast_in_dim3A_50 = vector.shape_cast %reduce_max3A_49 : vector<2048xf32> to vector<2048x1xf32>
    %sub3A_51 = vector.broadcast %broadcast_in_dim3A_50 : vector<2048x1xf32> to vector<2048x2048xf32>
    %sub3A_52 = arith.subf %select_n3A, %sub3A_51 : vector<2048x2048xf32>
    %exp3A = math.exp %sub3A_52 : vector<2048x2048xf32>
    %reduce_sum3A = arith.constant dense<0.000000e+00> : vector<2048xf32>
    %reduce_sum3A_53 = vector.multi_reduction <add>, %exp3A, %reduce_sum3A [1] : vector<2048x2048xf32> to vector<2048xf32>
    %broadcast_in_dim3A_54 = vector.shape_cast %reduce_sum3A_53 : vector<2048xf32> to vector<2048x1xf32>
    %div3A = vector.broadcast %broadcast_in_dim3A_54 : vector<2048x1xf32> to vector<2048x2048xf32>
    %div3A_55 = arith.divf %exp3A, %div3A : vector<2048x2048xf32>
    %dot_general3A_56 = arith.constant dense<0.000000e+00> : vector<2048x64xf32>
    %dot_general3A_57 = tpu.matmul %div3A_55, %dot_general3A_42, %dot_general3A_56 {dimension_numbers = #tpu.dot_dimension_numbers<[1], [0], [0], [1], [0, 0, 1, 1], [], []>, transpose_lhs_hint = false} : vector<2048x2048xf32>, vector<2048x64xf32>, vector<2048x64xf32> -> vector<2048x64xf32>
    %swap3A = arith.constant 0 : index
    %swap3A_58 = arith.constant 0 : index
    %swap3A_59 = arith.constant 0 : index
    %swap3A_60 = vector.load %arg8[%swap3A, %swap3A_58, %swap3A_59] : memref<1x2048x64xf32, #tpu.memory_space<vmem>>, vector<1x2048x64xf32>
    %swap3A_61 = vector.shape_cast %swap3A_60 : vector<1x2048x64xf32> to vector<2048x64xf32>
    %swap3A_62 = vector.shape_cast %dot_general3A_57 : vector<2048x64xf32> to vector<1x2048x64xf32>
    tpu.vector_store %arg8[%swap3A, %swap3A_58, %swap3A_59], %swap3A_62 {strides = array<i32>} : memref<1x2048x64xf32, #tpu.memory_space<vmem>>, vector<1x2048x64xf32>,
    return
  }
  func.func @transform_0(%arg0: i32) -> (i32, i32) {
    %c0_i32 = arith.constant 0 : i32
    %c0_i32_0 = arith.constant 0 : i32
    %c0_i32_1 = arith.constant 0 : i32
    return %c0_i32, %c0_i32_0 : i32, i32
  }
  func.func @transform_1(%arg0: i32) -> (i32, i32) {
    %c0_i32 = arith.constant 0 : i32
    %c0_i32_0 = arith.constant 0 : i32
    %c0_i32_1 = arith.constant 0 : i32
    return %c0_i32, %c0_i32_0 : i32, i32
  }
  func.func @transform_2(%arg0: i32) -> (i32, i32, i32) {
    %c0_i32 = arith.constant 0 : i32
    %c0_i32_0 = arith.constant 0 : i32
    %c0_i32_1 = arith.constant 0 : i32
    return %arg0, %c0_i32, %c0_i32_0 : i32, i32, i32
  }
  func.func @transform_3(%arg0: i32) -> (i32, i32, i32) {
    %jit3A = arith.constant 4 : i32
    %div3A = arith.divsi %arg0, %jit3A : i32
    %sign3A = arith.constant 0 : i32
    %sign3A_0 = arith.cmpi sgt, %arg0, %sign3A : i32
    %sign3A_1 = arith.extui %sign3A_0 : i1 to i32
    %sign3A_2 = arith.constant 0 : i32
    %sign3A_3 = arith.cmpi slt, %arg0, %sign3A_2 : i32
    %sign3A_4 = arith.extui %sign3A_3 : i1 to i32
    %sign3A_5 = arith.subi %sign3A_1, %sign3A_4 : i32
    %sign3A_6 = arith.constant 0 : i32
    %sign3A_7 = arith.cmpi sgt, %jit3A, %sign3A_6 : i32
    %sign3A_8 = arith.extui %sign3A_7 : i1 to i32
    %sign3A_9 = arith.constant 0 : i32
    %sign3A_10 = arith.cmpi slt, %jit3A, %sign3A_9 : i32
    %sign3A_11 = arith.extui %sign3A_10 : i1 to i32
    %sign3A_12 = arith.subi %sign3A_8, %sign3A_11 : i32
    %ne3A = arith.cmpi ne, %sign3A_5, %sign3A_12 : i32
    %rem3A = arith.remsi %arg0, %jit3A : i32
    %ne3A_13 = arith.constant 0 : i32
    %ne3A_14 = arith.cmpi ne, %rem3A, %ne3A_13 : i32
    %and3A = arith.andi %ne3A, %ne3A_14 : i1
    %sub3A = arith.constant 1 : i32
    %sub3A_15 = arith.subi %div3A, %sub3A : i32
    %select_n3A = arith.select %and3A, %sub3A_15, %div3A : i32
    %c0_i32 = arith.constant 0 : i32
    %c0_i32_16 = arith.constant 0 : i32
    %c0_i32_17 = arith.constant 0 : i32
    return %select_n3A, %c0_i32, %c0_i32_16 : i32, i32, i32
  }
  func.func @transform_4(%arg0: i32) -> (i32, i32, i32) {
    %jit3A = arith.constant 4 : i32
    %div3A = arith.divsi %arg0, %jit3A : i32
    %sign3A = arith.constant 0 : i32
    %sign3A_0 = arith.cmpi sgt, %arg0, %sign3A : i32
    %sign3A_1 = arith.extui %sign3A_0 : i1 to i32
    %sign3A_2 = arith.constant 0 : i32
    %sign3A_3 = arith.cmpi slt, %arg0, %sign3A_2 : i32
    %sign3A_4 = arith.extui %sign3A_3 : i1 to i32
    %sign3A_5 = arith.subi %sign3A_1, %sign3A_4 : i32
    %sign3A_6 = arith.constant 0 : i32
    %sign3A_7 = arith.cmpi sgt, %jit3A, %sign3A_6 : i32
    %sign3A_8 = arith.extui %sign3A_7 : i1 to i32
    %sign3A_9 = arith.constant 0 : i32
    %sign3A_10 = arith.cmpi slt, %jit3A, %sign3A_9 : i32
    %sign3A_11 = arith.extui %sign3A_10 : i1 to i32
    %sign3A_12 = arith.subi %sign3A_8, %sign3A_11 : i32
    %ne3A = arith.cmpi ne, %sign3A_5, %sign3A_12 : i32
    %rem3A = arith.remsi %arg0, %jit3A : i32
    %ne3A_13 = arith.constant 0 : i32
    %ne3A_14 = arith.cmpi ne, %rem3A, %ne3A_13 : i32
    %and3A = arith.andi %ne3A, %ne3A_14 : i1
    %sub3A = arith.constant 1 : i32
    %sub3A_15 = arith.subi %div3A, %sub3A : i32
    %select_n3A = arith.select %and3A, %sub3A_15, %div3A : i32
    %c0_i32 = arith.constant 0 : i32
    %c0_i32_16 = arith.constant 0 : i32
    %c0_i32_17 = arith.constant 0 : i32
    return %select_n3A, %c0_i32, %c0_i32_16 : i32, i32, i32
  }
  func.func @transform_5(%arg0: i32) -> (i32, i32) {
    %c0_i32 = arith.constant 0 : i32
    %c0_i32_0 = arith.constant 0 : i32
    %c0_i32_1 = arith.constant 0 : i32
    return %c0_i32, %c0_i32_0 : i32, i32
  }
  func.func @transform_6(%arg0: i32) -> (i32, i32) {
    %c0_i32 = arith.constant 0 : i32
    %c0_i32_0 = arith.constant 0 : i32
    %c0_i32_1 = arith.constant 0 : i32
    return %c0_i32, %c0_i32_0 : i32, i32
  }
  func.func @transform_7(%arg0: i32) -> (i32, i32, i32) {
    %c0_i32 = arith.constant 0 : i32
    %c0_i32_0 = arith.constant 0 : i32
    %c0_i32_1 = arith.constant 0 : i32
    return %arg0, %c0_i32, %c0_i32_0 : i32, i32, i32
  }
}

module attributes {stable_mosaic.version = 14 : i64} {
  func.func @_post_body(%arg0: i32, %arg1: memref<16x256x64xf32, #tpu.memory_space<vmem>>, %arg2: memref<16x64x1024xf32, #tpu.memory_space<vmem>>, %arg3: memref<256x1024xf32, #tpu.memory_space<vmem>>, %arg4: memref<1x1024xf32, #tpu.memory_space<vmem>>, %arg5: memref<64x1024xf32, #tpu.memory_space<vmem>>, %arg6: memref<256x1024xf32, #tpu.memory_space<vmem>>, %arg7: memref<256x1024xf32, #tpu.memory_space<vmem>>, %arg8: memref<256x1xi32, #tpu.memory_space<vmem>>) attributes {dimension_semantics = [#tpu.dimension_semantics<arbitrary>], iteration_bounds = array<i64: 8>, scalar_prefetch = 0 : i64, scratch_operands = 0 : i64, tpu.core_type = #tpu.core_type<tc>, window_params = [{transform_indices = @transform_0, window_bounds = array<i64: 16, 256, 64>}, {pipeline_mode = #tpu.pipeline_mode<synchronous>, transform_indices = @transform_1, window_bounds = array<i64: 16, 64, 1024>}, {transform_indices = @transform_2, window_bounds = array<i64: 256, 1024>}, {pipeline_mode = #tpu.pipeline_mode<synchronous>, transform_indices = @transform_3, window_bounds = array<i64: 1, 1024>}, {pipeline_mode = #tpu.pipeline_mode<synchronous>, transform_indices = @transform_4, window_bounds = array<i64: 64, 1024>}, {transform_indices = @transform_5, window_bounds = array<i64: 256, 1024>}, {transform_indices = @transform_6, window_bounds = array<i64: 256, 1024>}, {transform_indices = @transform_7, window_bounds = array<i64: 256, 1>}]} {
    %get3A = arith.constant 0 : index
    %get3A_0 = arith.constant 0 : index
    %get3A_1 = vector.load %arg3[%get3A, %get3A_0] : memref<256x1024xf32, #tpu.memory_space<vmem>>, vector<256x1024xf32>
    %get3A_2 = arith.constant 0 : index
    %get3A_3 = arith.constant 0 : index
    %get3A_4 = arith.constant 0 : index
    %get3A_5 = vector.load %arg1[%get3A_2, %get3A_3, %get3A_4] : memref<16x256x64xf32, #tpu.memory_space<vmem>>, vector<1x256x64xf32>
    %get3A_6 = vector.shape_cast %get3A_5 : vector<1x256x64xf32> to vector<256x64xf32>
    %get3A_7 = arith.constant 0 : index
    %get3A_8 = arith.constant 0 : index
    %get3A_9 = arith.constant 0 : index
    %get3A_10 = vector.load %arg2[%get3A_7, %get3A_8, %get3A_9] : memref<16x64x1024xf32, #tpu.memory_space<vmem>>, vector<1x64x1024xf32>
    %get3A_11 = vector.shape_cast %get3A_10 : vector<1x64x1024xf32> to vector<64x1024xf32>
    %dot_general3A = arith.constant dense<0.000000e+00> : vector<256x1024xf32>
    %dot_general3A_12 = tpu.matmul %get3A_6, %get3A_11, %dot_general3A {dimension_numbers = #tpu.dot_dimension_numbers<[1], [0], [0], [1], [0, 0, 1, 1], [], []>, transpose_lhs_hint = false} : vector<256x64xf32>, vector<64x1024xf32>, vector<256x1024xf32> -> vector<256x1024xf32>
    %add3A = arith.addf %get3A_1, %dot_general3A_12 : vector<256x1024xf32>
    %get3A_13 = arith.constant 1 : index
    %get3A_14 = arith.constant 0 : index
    %get3A_15 = arith.constant 0 : index
    %get3A_16 = vector.load %arg1[%get3A_13, %get3A_14, %get3A_15] : memref<16x256x64xf32, #tpu.memory_space<vmem>>, vector<1x256x64xf32>
    %get3A_17 = vector.shape_cast %get3A_16 : vector<1x256x64xf32> to vector<256x64xf32>
    %get3A_18 = arith.constant 1 : index
    %get3A_19 = arith.constant 0 : index
    %get3A_20 = arith.constant 0 : index
    %get3A_21 = vector.load %arg2[%get3A_18, %get3A_19, %get3A_20] : memref<16x64x1024xf32, #tpu.memory_space<vmem>>, vector<1x64x1024xf32>
    %get3A_22 = vector.shape_cast %get3A_21 : vector<1x64x1024xf32> to vector<64x1024xf32>
    %dot_general3A_23 = arith.constant dense<0.000000e+00> : vector<256x1024xf32>
    %dot_general3A_24 = tpu.matmul %get3A_17, %get3A_22, %dot_general3A_23 {dimension_numbers = #tpu.dot_dimension_numbers<[1], [0], [0], [1], [0, 0, 1, 1], [], []>, transpose_lhs_hint = false} : vector<256x64xf32>, vector<64x1024xf32>, vector<256x1024xf32> -> vector<256x1024xf32>
    %add3A_25 = arith.addf %add3A, %dot_general3A_24 : vector<256x1024xf32>
    %get3A_26 = arith.constant 2 : index
    %get3A_27 = arith.constant 0 : index
    %get3A_28 = arith.constant 0 : index
    %get3A_29 = vector.load %arg1[%get3A_26, %get3A_27, %get3A_28] : memref<16x256x64xf32, #tpu.memory_space<vmem>>, vector<1x256x64xf32>
    %get3A_30 = vector.shape_cast %get3A_29 : vector<1x256x64xf32> to vector<256x64xf32>
    %get3A_31 = arith.constant 2 : index
    %get3A_32 = arith.constant 0 : index
    %get3A_33 = arith.constant 0 : index
    %get3A_34 = vector.load %arg2[%get3A_31, %get3A_32, %get3A_33] : memref<16x64x1024xf32, #tpu.memory_space<vmem>>, vector<1x64x1024xf32>
    %get3A_35 = vector.shape_cast %get3A_34 : vector<1x64x1024xf32> to vector<64x1024xf32>
    %dot_general3A_36 = arith.constant dense<0.000000e+00> : vector<256x1024xf32>
    %dot_general3A_37 = tpu.matmul %get3A_30, %get3A_35, %dot_general3A_36 {dimension_numbers = #tpu.dot_dimension_numbers<[1], [0], [0], [1], [0, 0, 1, 1], [], []>, transpose_lhs_hint = false} : vector<256x64xf32>, vector<64x1024xf32>, vector<256x1024xf32> -> vector<256x1024xf32>
    %add3A_38 = arith.addf %add3A_25, %dot_general3A_37 : vector<256x1024xf32>
    %get3A_39 = arith.constant 3 : index
    %get3A_40 = arith.constant 0 : index
    %get3A_41 = arith.constant 0 : index
    %get3A_42 = vector.load %arg1[%get3A_39, %get3A_40, %get3A_41] : memref<16x256x64xf32, #tpu.memory_space<vmem>>, vector<1x256x64xf32>
    %get3A_43 = vector.shape_cast %get3A_42 : vector<1x256x64xf32> to vector<256x64xf32>
    %get3A_44 = arith.constant 3 : index
    %get3A_45 = arith.constant 0 : index
    %get3A_46 = arith.constant 0 : index
    %get3A_47 = vector.load %arg2[%get3A_44, %get3A_45, %get3A_46] : memref<16x64x1024xf32, #tpu.memory_space<vmem>>, vector<1x64x1024xf32>
    %get3A_48 = vector.shape_cast %get3A_47 : vector<1x64x1024xf32> to vector<64x1024xf32>
    %dot_general3A_49 = arith.constant dense<0.000000e+00> : vector<256x1024xf32>
    %dot_general3A_50 = tpu.matmul %get3A_43, %get3A_48, %dot_general3A_49 {dimension_numbers = #tpu.dot_dimension_numbers<[1], [0], [0], [1], [0, 0, 1, 1], [], []>, transpose_lhs_hint = false} : vector<256x64xf32>, vector<64x1024xf32>, vector<256x1024xf32> -> vector<256x1024xf32>
    %add3A_51 = arith.addf %add3A_38, %dot_general3A_50 : vector<256x1024xf32>
    %get3A_52 = arith.constant 4 : index
    %get3A_53 = arith.constant 0 : index
    %get3A_54 = arith.constant 0 : index
    %get3A_55 = vector.load %arg1[%get3A_52, %get3A_53, %get3A_54] : memref<16x256x64xf32, #tpu.memory_space<vmem>>, vector<1x256x64xf32>
    %get3A_56 = vector.shape_cast %get3A_55 : vector<1x256x64xf32> to vector<256x64xf32>
    %get3A_57 = arith.constant 4 : index
    %get3A_58 = arith.constant 0 : index
    %get3A_59 = arith.constant 0 : index
    %get3A_60 = vector.load %arg2[%get3A_57, %get3A_58, %get3A_59] : memref<16x64x1024xf32, #tpu.memory_space<vmem>>, vector<1x64x1024xf32>
    %get3A_61 = vector.shape_cast %get3A_60 : vector<1x64x1024xf32> to vector<64x1024xf32>
    %dot_general3A_62 = arith.constant dense<0.000000e+00> : vector<256x1024xf32>
    %dot_general3A_63 = tpu.matmul %get3A_56, %get3A_61, %dot_general3A_62 {dimension_numbers = #tpu.dot_dimension_numbers<[1], [0], [0], [1], [0, 0, 1, 1], [], []>, transpose_lhs_hint = false} : vector<256x64xf32>, vector<64x1024xf32>, vector<256x1024xf32> -> vector<256x1024xf32>
    %add3A_64 = arith.addf %add3A_51, %dot_general3A_63 : vector<256x1024xf32>
    %get3A_65 = arith.constant 5 : index
    %get3A_66 = arith.constant 0 : index
    %get3A_67 = arith.constant 0 : index
    %get3A_68 = vector.load %arg1[%get3A_65, %get3A_66, %get3A_67] : memref<16x256x64xf32, #tpu.memory_space<vmem>>, vector<1x256x64xf32>
    %get3A_69 = vector.shape_cast %get3A_68 : vector<1x256x64xf32> to vector<256x64xf32>
    %get3A_70 = arith.constant 5 : index
    %get3A_71 = arith.constant 0 : index
    %get3A_72 = arith.constant 0 : index
    %get3A_73 = vector.load %arg2[%get3A_70, %get3A_71, %get3A_72] : memref<16x64x1024xf32, #tpu.memory_space<vmem>>, vector<1x64x1024xf32>
    %get3A_74 = vector.shape_cast %get3A_73 : vector<1x64x1024xf32> to vector<64x1024xf32>
    %dot_general3A_75 = arith.constant dense<0.000000e+00> : vector<256x1024xf32>
    %dot_general3A_76 = tpu.matmul %get3A_69, %get3A_74, %dot_general3A_75 {dimension_numbers = #tpu.dot_dimension_numbers<[1], [0], [0], [1], [0, 0, 1, 1], [], []>, transpose_lhs_hint = false} : vector<256x64xf32>, vector<64x1024xf32>, vector<256x1024xf32> -> vector<256x1024xf32>
    %add3A_77 = arith.addf %add3A_64, %dot_general3A_76 : vector<256x1024xf32>
    %get3A_78 = arith.constant 6 : index
    %get3A_79 = arith.constant 0 : index
    %get3A_80 = arith.constant 0 : index
    %get3A_81 = vector.load %arg1[%get3A_78, %get3A_79, %get3A_80] : memref<16x256x64xf32, #tpu.memory_space<vmem>>, vector<1x256x64xf32>
    %get3A_82 = vector.shape_cast %get3A_81 : vector<1x256x64xf32> to vector<256x64xf32>
    %get3A_83 = arith.constant 6 : index
    %get3A_84 = arith.constant 0 : index
    %get3A_85 = arith.constant 0 : index
    %get3A_86 = vector.load %arg2[%get3A_83, %get3A_84, %get3A_85] : memref<16x64x1024xf32, #tpu.memory_space<vmem>>, vector<1x64x1024xf32>
    %get3A_87 = vector.shape_cast %get3A_86 : vector<1x64x1024xf32> to vector<64x1024xf32>
    %dot_general3A_88 = arith.constant dense<0.000000e+00> : vector<256x1024xf32>
    %dot_general3A_89 = tpu.matmul %get3A_82, %get3A_87, %dot_general3A_88 {dimension_numbers = #tpu.dot_dimension_numbers<[1], [0], [0], [1], [0, 0, 1, 1], [], []>, transpose_lhs_hint = false} : vector<256x64xf32>, vector<64x1024xf32>, vector<256x1024xf32> -> vector<256x1024xf32>
    %add3A_90 = arith.addf %add3A_77, %dot_general3A_89 : vector<256x1024xf32>
    %get3A_91 = arith.constant 7 : index
    %get3A_92 = arith.constant 0 : index
    %get3A_93 = arith.constant 0 : index
    %get3A_94 = vector.load %arg1[%get3A_91, %get3A_92, %get3A_93] : memref<16x256x64xf32, #tpu.memory_space<vmem>>, vector<1x256x64xf32>
    %get3A_95 = vector.shape_cast %get3A_94 : vector<1x256x64xf32> to vector<256x64xf32>
    %get3A_96 = arith.constant 7 : index
    %get3A_97 = arith.constant 0 : index
    %get3A_98 = arith.constant 0 : index
    %get3A_99 = vector.load %arg2[%get3A_96, %get3A_97, %get3A_98] : memref<16x64x1024xf32, #tpu.memory_space<vmem>>, vector<1x64x1024xf32>
    %get3A_100 = vector.shape_cast %get3A_99 : vector<1x64x1024xf32> to vector<64x1024xf32>
    %dot_general3A_101 = arith.constant dense<0.000000e+00> : vector<256x1024xf32>
    %dot_general3A_102 = tpu.matmul %get3A_95, %get3A_100, %dot_general3A_101 {dimension_numbers = #tpu.dot_dimension_numbers<[1], [0], [0], [1], [0, 0, 1, 1], [], []>, transpose_lhs_hint = false} : vector<256x64xf32>, vector<64x1024xf32>, vector<256x1024xf32> -> vector<256x1024xf32>
    %add3A_103 = arith.addf %add3A_90, %dot_general3A_102 : vector<256x1024xf32>
    %get3A_104 = arith.constant 8 : index
    %get3A_105 = arith.constant 0 : index
    %get3A_106 = arith.constant 0 : index
    %get3A_107 = vector.load %arg1[%get3A_104, %get3A_105, %get3A_106] : memref<16x256x64xf32, #tpu.memory_space<vmem>>, vector<1x256x64xf32>
    %get3A_108 = vector.shape_cast %get3A_107 : vector<1x256x64xf32> to vector<256x64xf32>
    %get3A_109 = arith.constant 8 : index
    %get3A_110 = arith.constant 0 : index
    %get3A_111 = arith.constant 0 : index
    %get3A_112 = vector.load %arg2[%get3A_109, %get3A_110, %get3A_111] : memref<16x64x1024xf32, #tpu.memory_space<vmem>>, vector<1x64x1024xf32>
    %get3A_113 = vector.shape_cast %get3A_112 : vector<1x64x1024xf32> to vector<64x1024xf32>
    %dot_general3A_114 = arith.constant dense<0.000000e+00> : vector<256x1024xf32>
    %dot_general3A_115 = tpu.matmul %get3A_108, %get3A_113, %dot_general3A_114 {dimension_numbers = #tpu.dot_dimension_numbers<[1], [0], [0], [1], [0, 0, 1, 1], [], []>, transpose_lhs_hint = false} : vector<256x64xf32>, vector<64x1024xf32>, vector<256x1024xf32> -> vector<256x1024xf32>
    %add3A_116 = arith.addf %add3A_103, %dot_general3A_115 : vector<256x1024xf32>
    %get3A_117 = arith.constant 9 : index
    %get3A_118 = arith.constant 0 : index
    %get3A_119 = arith.constant 0 : index
    %get3A_120 = vector.load %arg1[%get3A_117, %get3A_118, %get3A_119] : memref<16x256x64xf32, #tpu.memory_space<vmem>>, vector<1x256x64xf32>
    %get3A_121 = vector.shape_cast %get3A_120 : vector<1x256x64xf32> to vector<256x64xf32>
    %get3A_122 = arith.constant 9 : index
    %get3A_123 = arith.constant 0 : index
    %get3A_124 = arith.constant 0 : index
    %get3A_125 = vector.load %arg2[%get3A_122, %get3A_123, %get3A_124] : memref<16x64x1024xf32, #tpu.memory_space<vmem>>, vector<1x64x1024xf32>
    %get3A_126 = vector.shape_cast %get3A_125 : vector<1x64x1024xf32> to vector<64x1024xf32>
    %dot_general3A_127 = arith.constant dense<0.000000e+00> : vector<256x1024xf32>
    %dot_general3A_128 = tpu.matmul %get3A_121, %get3A_126, %dot_general3A_127 {dimension_numbers = #tpu.dot_dimension_numbers<[1], [0], [0], [1], [0, 0, 1, 1], [], []>, transpose_lhs_hint = false} : vector<256x64xf32>, vector<64x1024xf32>, vector<256x1024xf32> -> vector<256x1024xf32>
    %add3A_129 = arith.addf %add3A_116, %dot_general3A_128 : vector<256x1024xf32>
    %get3A_130 = arith.constant 10 : index
    %get3A_131 = arith.constant 0 : index
    %get3A_132 = arith.constant 0 : index
    %get3A_133 = vector.load %arg1[%get3A_130, %get3A_131, %get3A_132] : memref<16x256x64xf32, #tpu.memory_space<vmem>>, vector<1x256x64xf32>
    %get3A_134 = vector.shape_cast %get3A_133 : vector<1x256x64xf32> to vector<256x64xf32>
    %get3A_135 = arith.constant 10 : index
    %get3A_136 = arith.constant 0 : index
    %get3A_137 = arith.constant 0 : index
    %get3A_138 = vector.load %arg2[%get3A_135, %get3A_136, %get3A_137] : memref<16x64x1024xf32, #tpu.memory_space<vmem>>, vector<1x64x1024xf32>
    %get3A_139 = vector.shape_cast %get3A_138 : vector<1x64x1024xf32> to vector<64x1024xf32>
    %dot_general3A_140 = arith.constant dense<0.000000e+00> : vector<256x1024xf32>
    %dot_general3A_141 = tpu.matmul %get3A_134, %get3A_139, %dot_general3A_140 {dimension_numbers = #tpu.dot_dimension_numbers<[1], [0], [0], [1], [0, 0, 1, 1], [], []>, transpose_lhs_hint = false} : vector<256x64xf32>, vector<64x1024xf32>, vector<256x1024xf32> -> vector<256x1024xf32>
    %add3A_142 = arith.addf %add3A_129, %dot_general3A_141 : vector<256x1024xf32>
    %get3A_143 = arith.constant 11 : index
    %get3A_144 = arith.constant 0 : index
    %get3A_145 = arith.constant 0 : index
    %get3A_146 = vector.load %arg1[%get3A_143, %get3A_144, %get3A_145] : memref<16x256x64xf32, #tpu.memory_space<vmem>>, vector<1x256x64xf32>
    %get3A_147 = vector.shape_cast %get3A_146 : vector<1x256x64xf32> to vector<256x64xf32>
    %get3A_148 = arith.constant 11 : index
    %get3A_149 = arith.constant 0 : index
    %get3A_150 = arith.constant 0 : index
    %get3A_151 = vector.load %arg2[%get3A_148, %get3A_149, %get3A_150] : memref<16x64x1024xf32, #tpu.memory_space<vmem>>, vector<1x64x1024xf32>
    %get3A_152 = vector.shape_cast %get3A_151 : vector<1x64x1024xf32> to vector<64x1024xf32>
    %dot_general3A_153 = arith.constant dense<0.000000e+00> : vector<256x1024xf32>
    %dot_general3A_154 = tpu.matmul %get3A_147, %get3A_152, %dot_general3A_153 {dimension_numbers = #tpu.dot_dimension_numbers<[1], [0], [0], [1], [0, 0, 1, 1], [], []>, transpose_lhs_hint = false} : vector<256x64xf32>, vector<64x1024xf32>, vector<256x1024xf32> -> vector<256x1024xf32>
    %add3A_155 = arith.addf %add3A_142, %dot_general3A_154 : vector<256x1024xf32>
    %get3A_156 = arith.constant 12 : index
    %get3A_157 = arith.constant 0 : index
    %get3A_158 = arith.constant 0 : index
    %get3A_159 = vector.load %arg1[%get3A_156, %get3A_157, %get3A_158] : memref<16x256x64xf32, #tpu.memory_space<vmem>>, vector<1x256x64xf32>
    %get3A_160 = vector.shape_cast %get3A_159 : vector<1x256x64xf32> to vector<256x64xf32>
    %get3A_161 = arith.constant 12 : index
    %get3A_162 = arith.constant 0 : index
    %get3A_163 = arith.constant 0 : index
    %get3A_164 = vector.load %arg2[%get3A_161, %get3A_162, %get3A_163] : memref<16x64x1024xf32, #tpu.memory_space<vmem>>, vector<1x64x1024xf32>
    %get3A_165 = vector.shape_cast %get3A_164 : vector<1x64x1024xf32> to vector<64x1024xf32>
    %dot_general3A_166 = arith.constant dense<0.000000e+00> : vector<256x1024xf32>
    %dot_general3A_167 = tpu.matmul %get3A_160, %get3A_165, %dot_general3A_166 {dimension_numbers = #tpu.dot_dimension_numbers<[1], [0], [0], [1], [0, 0, 1, 1], [], []>, transpose_lhs_hint = false} : vector<256x64xf32>, vector<64x1024xf32>, vector<256x1024xf32> -> vector<256x1024xf32>
    %add3A_168 = arith.addf %add3A_155, %dot_general3A_167 : vector<256x1024xf32>
    %get3A_169 = arith.constant 13 : index
    %get3A_170 = arith.constant 0 : index
    %get3A_171 = arith.constant 0 : index
    %get3A_172 = vector.load %arg1[%get3A_169, %get3A_170, %get3A_171] : memref<16x256x64xf32, #tpu.memory_space<vmem>>, vector<1x256x64xf32>
    %get3A_173 = vector.shape_cast %get3A_172 : vector<1x256x64xf32> to vector<256x64xf32>
    %get3A_174 = arith.constant 13 : index
    %get3A_175 = arith.constant 0 : index
    %get3A_176 = arith.constant 0 : index
    %get3A_177 = vector.load %arg2[%get3A_174, %get3A_175, %get3A_176] : memref<16x64x1024xf32, #tpu.memory_space<vmem>>, vector<1x64x1024xf32>
    %get3A_178 = vector.shape_cast %get3A_177 : vector<1x64x1024xf32> to vector<64x1024xf32>
    %dot_general3A_179 = arith.constant dense<0.000000e+00> : vector<256x1024xf32>
    %dot_general3A_180 = tpu.matmul %get3A_173, %get3A_178, %dot_general3A_179 {dimension_numbers = #tpu.dot_dimension_numbers<[1], [0], [0], [1], [0, 0, 1, 1], [], []>, transpose_lhs_hint = false} : vector<256x64xf32>, vector<64x1024xf32>, vector<256x1024xf32> -> vector<256x1024xf32>
    %add3A_181 = arith.addf %add3A_168, %dot_general3A_180 : vector<256x1024xf32>
    %get3A_182 = arith.constant 14 : index
    %get3A_183 = arith.constant 0 : index
    %get3A_184 = arith.constant 0 : index
    %get3A_185 = vector.load %arg1[%get3A_182, %get3A_183, %get3A_184] : memref<16x256x64xf32, #tpu.memory_space<vmem>>, vector<1x256x64xf32>
    %get3A_186 = vector.shape_cast %get3A_185 : vector<1x256x64xf32> to vector<256x64xf32>
    %get3A_187 = arith.constant 14 : index
    %get3A_188 = arith.constant 0 : index
    %get3A_189 = arith.constant 0 : index
    %get3A_190 = vector.load %arg2[%get3A_187, %get3A_188, %get3A_189] : memref<16x64x1024xf32, #tpu.memory_space<vmem>>, vector<1x64x1024xf32>
    %get3A_191 = vector.shape_cast %get3A_190 : vector<1x64x1024xf32> to vector<64x1024xf32>
    %dot_general3A_192 = arith.constant dense<0.000000e+00> : vector<256x1024xf32>
    %dot_general3A_193 = tpu.matmul %get3A_186, %get3A_191, %dot_general3A_192 {dimension_numbers = #tpu.dot_dimension_numbers<[1], [0], [0], [1], [0, 0, 1, 1], [], []>, transpose_lhs_hint = false} : vector<256x64xf32>, vector<64x1024xf32>, vector<256x1024xf32> -> vector<256x1024xf32>
    %add3A_194 = arith.addf %add3A_181, %dot_general3A_193 : vector<256x1024xf32>
    %get3A_195 = arith.constant 15 : index
    %get3A_196 = arith.constant 0 : index
    %get3A_197 = arith.constant 0 : index
    %get3A_198 = vector.load %arg1[%get3A_195, %get3A_196, %get3A_197] : memref<16x256x64xf32, #tpu.memory_space<vmem>>, vector<1x256x64xf32>
    %get3A_199 = vector.shape_cast %get3A_198 : vector<1x256x64xf32> to vector<256x64xf32>
    %get3A_200 = arith.constant 15 : index
    %get3A_201 = arith.constant 0 : index
    %get3A_202 = arith.constant 0 : index
    %get3A_203 = vector.load %arg2[%get3A_200, %get3A_201, %get3A_202] : memref<16x64x1024xf32, #tpu.memory_space<vmem>>, vector<1x64x1024xf32>
    %get3A_204 = vector.shape_cast %get3A_203 : vector<1x64x1024xf32> to vector<64x1024xf32>
    %dot_general3A_205 = arith.constant dense<0.000000e+00> : vector<256x1024xf32>
    %dot_general3A_206 = tpu.matmul %get3A_199, %get3A_204, %dot_general3A_205 {dimension_numbers = #tpu.dot_dimension_numbers<[1], [0], [0], [1], [0, 0, 1, 1], [], []>, transpose_lhs_hint = false} : vector<256x64xf32>, vector<64x1024xf32>, vector<256x1024xf32> -> vector<256x1024xf32>
    %add3A_207 = arith.addf %add3A_194, %dot_general3A_206 : vector<256x1024xf32>
    %swap3A = arith.constant 0 : index
    %swap3A_208 = arith.constant 0 : index
    %swap3A_209 = vector.load %arg6[%swap3A, %swap3A_208] : memref<256x1024xf32, #tpu.memory_space<vmem>>, vector<256x1024xf32>
    tpu.vector_store %arg6[%swap3A, %swap3A_208], %add3A_207 {strides = array<i32>} : memref<256x1024xf32, #tpu.memory_space<vmem>>, vector<256x1024xf32>,
    %mul3A = arith.mulf %add3A_207, %add3A_207 : vector<256x1024xf32>
    %reduce_sum3A = arith.constant dense<0.000000e+00> : vector<256xf32>
    %reduce_sum3A_210 = vector.multi_reduction <add>, %mul3A, %reduce_sum3A [1] : vector<256x1024xf32> to vector<256xf32>
    %broadcast_in_dim3A = vector.shape_cast %reduce_sum3A_210 : vector<256xf32> to vector<256x1xf32>
    %div3A = arith.constant 1.024000e+03 : f32
    %div3A_211 = vector.broadcast %div3A : f32 to vector<256x1xf32>
    %div3A_212 = arith.divf %broadcast_in_dim3A, %div3A_211 : vector<256x1xf32>
    %add3A_213 = arith.constant 9.99999997E-7 : f32
    %add3A_214 = vector.broadcast %add3A_213 : f32 to vector<256x1xf32>
    %add3A_215 = arith.addf %div3A_212, %add3A_214 : vector<256x1xf32>
    %rsqrt3A = math.rsqrt %add3A_215 : vector<256x1xf32>
    %mul3A_216 = vector.broadcast %rsqrt3A : vector<256x1xf32> to vector<256x1024xf32>
    %mul3A_217 = arith.mulf %add3A_207, %mul3A_216 : vector<256x1024xf32>
    %get3A_218 = arith.constant 0 : index
    %get3A_219 = arith.constant 0 : index
    %get3A_220 = vector.load %arg4[%get3A_218, %get3A_219] : memref<1x1024xf32, #tpu.memory_space<vmem>>, vector<1x1024xf32>
    %mul3A_221 = vector.broadcast %get3A_220 : vector<1x1024xf32> to vector<256x1024xf32>
    %mul3A_222 = arith.mulf %mul3A_217, %mul3A_221 : vector<256x1024xf32>
    %swap3A_223 = arith.constant 0 : index
    %swap3A_224 = arith.constant 0 : index
    %swap3A_225 = vector.load %arg7[%swap3A_223, %swap3A_224] : memref<256x1024xf32, #tpu.memory_space<vmem>>, vector<256x1024xf32>
    tpu.vector_store %arg7[%swap3A_223, %swap3A_224], %mul3A_222 {strides = array<i32>} : memref<256x1024xf32, #tpu.memory_space<vmem>>, vector<256x1024xf32>,
    %get3A_226 = arith.constant 0 : index
    %get3A_227 = arith.constant 0 : index
    %get3A_228 = vector.load %arg5[%get3A_226, %get3A_227] : memref<64x1024xf32, #tpu.memory_space<vmem>>, vector<64x1024xf32>
    %dot_general3A_229 = arith.constant dense<0.000000e+00> : vector<256x64xf32>
    %dot_general3A_230 = tpu.matmul %mul3A_222, %get3A_228, %dot_general3A_229 {dimension_numbers = #tpu.dot_dimension_numbers<[1], [1], [0], [0], [0, 0, 1, 0], [], []>, transpose_lhs_hint = false} : vector<256x1024xf32>, vector<64x1024xf32>, vector<256x64xf32> -> vector<256x64xf32>
    %reduce_max3A = arith.constant dense<0xFF800000> : vector<256xf32>
    %reduce_max3A_231 = vector.multi_reduction <maximumf>, %dot_general3A_230, %reduce_max3A [1] : vector<256x64xf32> to vector<256xf32>
    %broadcast_in_dim3A_232 = vector.shape_cast %reduce_max3A_231 : vector<256xf32> to vector<256x1xf32>
    %iota3A = tpu.iota {dimensions = array<i32: 1>} : vector<256x64xi32>
    %eq3A = vector.broadcast %broadcast_in_dim3A_232 : vector<256x1xf32> to vector<256x64xf32>
    %eq3A_233 = arith.cmpf oeq, %dot_general3A_230, %eq3A : vector<256x64xf32>
    %jit3A = arith.constant 64 : i32
    %broadcast_in_dim3A_234 = vector.broadcast %jit3A : i32 to vector<256x64xi32>
    %select_n3A = arith.select %eq3A_233, %iota3A, %broadcast_in_dim3A_234 : vector<256x64xi1>, vector<256x64xi32>
    %reduce_min3A = arith.constant dense<2147483647> : vector<256xi32>
    %reduce_min3A_235 = vector.multi_reduction <minsi>, %select_n3A, %reduce_min3A [1] : vector<256x64xi32> to vector<256xi32>
    %broadcast_in_dim3A_236 = vector.shape_cast %reduce_min3A_235 : vector<256xi32> to vector<256x1xi32>
    %swap3A_237 = arith.constant 0 : index
    %swap3A_238 = arith.constant 0 : index
    %swap3A_239 = vector.load %arg8[%swap3A_237, %swap3A_238] : memref<256x1xi32, #tpu.memory_space<vmem>>, vector<256x1xi32>
    tpu.vector_store %arg8[%swap3A_237, %swap3A_238], %broadcast_in_dim3A_236 {strides = array<i32>} : memref<256x1xi32, #tpu.memory_space<vmem>>, vector<256x1xi32>,
    return
  }
  func.func @transform_0(%arg0: i32) -> (i32, i32, i32) {
    %c0_i32 = arith.constant 0 : i32
    %c0_i32_0 = arith.constant 0 : i32
    %c0_i32_1 = arith.constant 0 : i32
    return %c0_i32, %arg0, %c0_i32_0 : i32, i32, i32
  }
  func.func @transform_1(%arg0: i32) -> (i32, i32, i32) {
    %c0_i32 = arith.constant 0 : i32
    %c0_i32_0 = arith.constant 0 : i32
    %c0_i32_1 = arith.constant 0 : i32
    %c0_i32_2 = arith.constant 0 : i32
    return %c0_i32, %c0_i32_0, %c0_i32_1 : i32, i32, i32
  }
  func.func @transform_2(%arg0: i32) -> (i32, i32) {
    %c0_i32 = arith.constant 0 : i32
    %c0_i32_0 = arith.constant 0 : i32
    return %arg0, %c0_i32 : i32, i32
  }
  func.func @transform_3(%arg0: i32) -> (i32, i32) {
    %c0_i32 = arith.constant 0 : i32
    %c0_i32_0 = arith.constant 0 : i32
    %c0_i32_1 = arith.constant 0 : i32
    return %c0_i32, %c0_i32_0 : i32, i32
  }
  func.func @transform_4(%arg0: i32) -> (i32, i32) {
    %c0_i32 = arith.constant 0 : i32
    %c0_i32_0 = arith.constant 0 : i32
    %c0_i32_1 = arith.constant 0 : i32
    return %c0_i32, %c0_i32_0 : i32, i32
  }
  func.func @transform_5(%arg0: i32) -> (i32, i32) {
    %c0_i32 = arith.constant 0 : i32
    %c0_i32_0 = arith.constant 0 : i32
    return %arg0, %c0_i32 : i32, i32
  }
  func.func @transform_6(%arg0: i32) -> (i32, i32) {
    %c0_i32 = arith.constant 0 : i32
    %c0_i32_0 = arith.constant 0 : i32
    return %arg0, %c0_i32 : i32, i32
  }
  func.func @transform_7(%arg0: i32) -> (i32, i32) {
    %c0_i32 = arith.constant 0 : i32
    %c0_i32_0 = arith.constant 0 : i32
    return %arg0, %c0_i32 : i32, i32
  }
}

module attributes {stable_mosaic.version = 14 : i64} {
  func.func @_moe_body(%arg0: i32, %arg1: memref<80xi32, #tpu.memory_space<smem>>, %arg2: memref<1xi32, #tpu.memory_space<smem>>, %arg3: memref<128x1024xf32, #tpu.memory_space<vmem>>, %arg4: memref<1x512x1024xf32, #tpu.memory_space<vmem>>, %arg5: memref<1x512x1024xf32, #tpu.memory_space<vmem>>, %arg6: memref<1x1024x512xf32, #tpu.memory_space<vmem>>, %arg7: memref<128x1024xf32, #tpu.memory_space<vmem>>) attributes {dimension_semantics = [#tpu.dimension_semantics<arbitrary>], iteration_bounds = array<i64: 80>, scalar_prefetch = 2 : i64, scratch_operands = 0 : i64, tpu.core_type = #tpu.core_type<tc>, window_params = [{transform_indices = @transform_0, window_bounds = array<i64: 128, 1024>}, {transform_indices = @transform_1, window_bounds = array<i64: 1, 512, 1024>}, {transform_indices = @transform_2, window_bounds = array<i64: 1, 512, 1024>}, {transform_indices = @transform_3, window_bounds = array<i64: 1, 1024, 512>}, {transform_indices = @transform_4, window_bounds = array<i64: 128, 1024>}]} {
    %get3A = arith.constant 0 : index
    %get3A_0 = memref.load %arg2[%get3A] : memref<1xi32, #tpu.memory_space<smem>>
    %lt3A = arith.cmpi slt, %arg0, %get3A_0 : i32
    %convert_element_type3A = arith.extui %lt3A : i1 to i32
    %cond3A = arith.constant 0 : i32
    %cond3A_1 = arith.cmpi ne, %convert_element_type3A, %cond3A : i32
    scf.if %cond3A_1 {
      %get3A_2 = arith.constant 0 : index
      %get3A_3 = arith.constant 0 : index
      %get3A_4 = vector.load %arg3[%get3A_2, %get3A_3] : memref<128x1024xf32, #tpu.memory_space<vmem>>, vector<128x1024xf32>
      %convert_element_type3A_5 = arith.truncf %get3A_4 : vector<128x1024xf32> to vector<128x1024xbf16>
      %get3A_6 = arith.constant 0 : index
      %get3A_7 = arith.constant 0 : index
      %get3A_8 = arith.constant 0 : index
      %get3A_9 = vector.load %arg4[%get3A_6, %get3A_7, %get3A_8] : memref<1x512x1024xf32, #tpu.memory_space<vmem>>, vector<1x512x1024xf32>
      %get3A_10 = vector.shape_cast %get3A_9 : vector<1x512x1024xf32> to vector<512x1024xf32>
      %convert_element_type3A_11 = arith.truncf %get3A_10 : vector<512x1024xf32> to vector<512x1024xbf16>
      %get3A_12 = arith.constant 0 : index
      %get3A_13 = arith.constant 0 : index
      %get3A_14 = arith.constant 0 : index
      %get3A_15 = vector.load %arg5[%get3A_12, %get3A_13, %get3A_14] : memref<1x512x1024xf32, #tpu.memory_space<vmem>>, vector<1x512x1024xf32>
      %get3A_16 = vector.shape_cast %get3A_15 : vector<1x512x1024xf32> to vector<512x1024xf32>
      %convert_element_type3A_17 = arith.truncf %get3A_16 : vector<512x1024xf32> to vector<512x1024xbf16>
      %get3A_18 = arith.constant 0 : index
      %get3A_19 = arith.constant 0 : index
      %get3A_20 = arith.constant 0 : index
      %get3A_21 = vector.load %arg6[%get3A_18, %get3A_19, %get3A_20] : memref<1x1024x512xf32, #tpu.memory_space<vmem>>, vector<1x1024x512xf32>
      %get3A_22 = vector.shape_cast %get3A_21 : vector<1x1024x512xf32> to vector<1024x512xf32>
      %convert_element_type3A_23 = arith.truncf %get3A_22 : vector<1024x512xf32> to vector<1024x512xbf16>
      %dot_general3A = arith.constant dense<0.000000e+00> : vector<128x512xf32>
      %dot_general3A_24 = tpu.matmul %convert_element_type3A_5, %convert_element_type3A_11, %dot_general3A {dimension_numbers = #tpu.dot_dimension_numbers<[1], [1], [0], [0], [0, 0, 1, 0], [], []>, transpose_lhs_hint = false} : vector<128x1024xbf16>, vector<512x1024xbf16>, vector<128x512xf32> -> vector<128x512xf32>
      %dot_general3A_25 = arith.constant dense<0.000000e+00> : vector<128x512xf32>
      %dot_general3A_26 = tpu.matmul %convert_element_type3A_5, %convert_element_type3A_17, %dot_general3A_25 {dimension_numbers = #tpu.dot_dimension_numbers<[1], [1], [0], [0], [0, 0, 1, 0], [], []>, transpose_lhs_hint = false} : vector<128x1024xbf16>, vector<512x1024xbf16>, vector<128x512xf32> -> vector<128x512xf32>
      %neg3A = arith.constant 0.000000e+00 : f32
      %neg3A_27 = vector.broadcast %neg3A : f32 to vector<128x512xf32>
      %neg3A_28 = arith.subf %neg3A_27, %dot_general3A_24 : vector<128x512xf32>
      %exp3A = math.exp %neg3A_28 : vector<128x512xf32>
      %add3A = arith.constant 1.000000e+00 : f32
      %add3A_29 = vector.broadcast %add3A : f32 to vector<128x512xf32>
      %add3A_30 = arith.addf %add3A_29, %exp3A : vector<128x512xf32>
      %div3A = arith.constant 1.000000e+00 : f32
      %div3A_31 = vector.broadcast %div3A : f32 to vector<128x512xf32>
      %div3A_32 = arith.divf %div3A_31, %add3A_30 : vector<128x512xf32>
      %mul3A = arith.mulf %dot_general3A_24, %div3A_32 : vector<128x512xf32>
      %mul3A_33 = arith.mulf %mul3A, %dot_general3A_26 : vector<128x512xf32>
      %convert_element_type3A_34 = arith.truncf %mul3A_33 : vector<128x512xf32> to vector<128x512xbf16>
      %dot_general3A_35 = arith.constant dense<0.000000e+00> : vector<128x1024xf32>
      %dot_general3A_36 = tpu.matmul %convert_element_type3A_34, %convert_element_type3A_23, %dot_general3A_35 {dimension_numbers = #tpu.dot_dimension_numbers<[1], [1], [0], [0], [0, 0, 1, 0], [], []>, transpose_lhs_hint = false} : vector<128x512xbf16>, vector<1024x512xbf16>, vector<128x1024xf32> -> vector<128x1024xf32>
      %swap3A = arith.constant 0 : index
      %swap3A_37 = arith.constant 0 : index
      %swap3A_38 = vector.load %arg7[%swap3A, %swap3A_37] : memref<128x1024xf32, #tpu.memory_space<vmem>>, vector<128x1024xf32>
      tpu.vector_store %arg7[%swap3A, %swap3A_37], %dot_general3A_36 {strides = array<i32>} : memref<128x1024xf32, #tpu.memory_space<vmem>>, vector<128x1024xf32>,
    } else {
    }
    return
  }
  func.func @transform_0(%arg0: i32, %arg1: memref<80xi32, #tpu.memory_space<smem>>, %arg2: memref<1xi32, #tpu.memory_space<smem>>) -> (i32, i32) {
    %c0_i32 = arith.constant 0 : i32
    %c0_i32_0 = arith.constant 0 : i32
    return %arg0, %c0_i32 : i32, i32
  }
  func.func @transform_1(%arg0: i32, %arg1: memref<80xi32, #tpu.memory_space<smem>>, %arg2: memref<1xi32, #tpu.memory_space<smem>>) -> (i32, i32, i32) {
    %get3A = arith.index_cast %arg0 : i32 to index
    %get3A_0 = memref.load %arg1[%get3A] : memref<80xi32, #tpu.memory_space<smem>>
    %c0_i32 = arith.constant 0 : i32
    %c0_i32_1 = arith.constant 0 : i32
    %c0_i32_2 = arith.constant 0 : i32
    return %get3A_0, %c0_i32, %c0_i32_1 : i32, i32, i32
  }
  func.func @transform_2(%arg0: i32, %arg1: memref<80xi32, #tpu.memory_space<smem>>, %arg2: memref<1xi32, #tpu.memory_space<smem>>) -> (i32, i32, i32) {
    %get3A = arith.index_cast %arg0 : i32 to index
    %get3A_0 = memref.load %arg1[%get3A] : memref<80xi32, #tpu.memory_space<smem>>
    %c0_i32 = arith.constant 0 : i32
    %c0_i32_1 = arith.constant 0 : i32
    %c0_i32_2 = arith.constant 0 : i32
    return %get3A_0, %c0_i32, %c0_i32_1 : i32, i32, i32
  }
  func.func @transform_3(%arg0: i32, %arg1: memref<80xi32, #tpu.memory_space<smem>>, %arg2: memref<1xi32, #tpu.memory_space<smem>>) -> (i32, i32, i32) {
    %get3A = arith.index_cast %arg0 : i32 to index
    %get3A_0 = memref.load %arg1[%get3A] : memref<80xi32, #tpu.memory_space<smem>>
    %c0_i32 = arith.constant 0 : i32
    %c0_i32_1 = arith.constant 0 : i32
    %c0_i32_2 = arith.constant 0 : i32
    return %get3A_0, %c0_i32, %c0_i32_1 : i32, i32, i32
  }
  func.func @transform_4(%arg0: i32, %arg1: memref<80xi32, #tpu.memory_space<smem>>, %arg2: memref<1xi32, #tpu.memory_space<smem>>) -> (i32, i32) {
    %c0_i32 = arith.constant 0 : i32
    %c0_i32_0 = arith.constant 0 : i32
    return %arg0, %c0_i32 : i32, i32
  }
}

module attributes {stable_mosaic.version = 14 : i64} {
  func.func @_add_body(%arg0: memref<2048x1024xf32, #tpu.memory_space<vmem>>, %arg1: memref<2048x1024xf32, #tpu.memory_space<vmem>>, %arg2: memref<2048x1024xf32, #tpu.memory_space<vmem>>) attributes {dimension_semantics = [], scalar_prefetch = 0 : i64, scratch_operands = 0 : i64, tpu.core_type = #tpu.core_type<tc>} {
    %get3A = arith.constant 0 : index
    %get3A_0 = arith.constant 0 : index
    %get3A_1 = vector.load %arg0[%get3A, %get3A_0] : memref<2048x1024xf32, #tpu.memory_space<vmem>>, vector<2048x1024xf32>
    %get3A_2 = arith.constant 0 : index
    %get3A_3 = arith.constant 0 : index
    %get3A_4 = vector.load %arg1[%get3A_2, %get3A_3] : memref<2048x1024xf32, #tpu.memory_space<vmem>>, vector<2048x1024xf32>
    %add3A = arith.addf %get3A_1, %get3A_4 : vector<2048x1024xf32>
    %swap3A = arith.constant 0 : index
    %swap3A_5 = arith.constant 0 : index
    %swap3A_6 = vector.load %arg2[%swap3A, %swap3A_5] : memref<2048x1024xf32, #tpu.memory_space<vmem>>, vector<2048x1024xf32>
    tpu.vector_store %arg2[%swap3A, %swap3A_5], %add3A {strides = array<i32>} : memref<2048x1024xf32, #tpu.memory_space<vmem>>, vector<2048x1024xf32>,
    return
  }
}

</mosaic_0001>

<sc_bundles>
// kernel: gather_offload_async_start
scs
__scs_entry_jumppad:
0x0: {  	(pc) =	sbr.rel $0x88, $3  }
0x1: {  	(tag) =	ssettag $0x0;
	lr =	simm.s32 $0x1  }
0x2: {  	[smem:$0x3F97] =	sst lr;
	_ =	strace $0xD0000000  }
0x3: {  	_ = 	snop  }
0x4: {  	_ = 	snop  }
0x5: {  	_ = 	snop  }
0x6: {  	_ = 	snop  }
0x7: {  	_ = 	snop  }
__scs_overlays_trampoline_lowered:
0x8: {  	[smem:$0x3FA6] =	sst s0  }
0x9: {  	[smem:$0x3FA7] =	sst s1  }
0xa: {  	[smem:$0x3FA8] =	sst s2  }
0xb: {  	[smem:$0x3FA9] =	sst s3  }
0xc: {  	[smem:$0x3FAA] =	sst s4  }
0xd: {  	[smem:$0x3FAB] =	sst s5  }
0xe: {  	[smem:$0x3FAC] =	sst s6  }
0xf: {  	[smem:$0x3FAD] =	sst s7  }
0x10: {  	[smem:$0x3FAE] =	sst s8  }
0x11: {  	[smem:$0x3FAF] =	sst s9;
	s0 =	simm.s32 @!p0 $0x0  }
0x12: {  	s1 =	sld [smem:$0x3F95];
	s0 =	simm.s32 @p0 $0x1  }
0x13: {  	[smem:$0x3FB0] =	sst s0;
	s0 =	simm.s32 @!p1 $0x0  }
0x14: {  	s2 =	sld [smem:$0x3F94];
	s0 =	simm.s32 @p1 $0x1  }
0x15: {  	[smem:$0x3FB1] =	sst s0;
	s0 =	simm.s32 @!p2 $0x0  }
0x16: {  	s3 =	sld [smem:$0x3FDB];
	s0 =	simm.s32 @p2 $0x1  }
0x17: {  	s4 =	simm.s32 $0x1BF5;
	[smem:$0x3FB3] =	sst s0  }
0x18: {  	s0 =	sld [smem:$0x3F96];
	_ =	swait.ge [sflag:s4], $0x0  }
0x19: {  	s7 =	sld [smem:$0x3F97]  }
0x1a: {  	s8 =	sadd.s32 $0xFFFFE003, lr  }
0x1b: {  	s9 =	sadd.s32 $0xFFFFFEF7, lr;
	s5 =	simm.s32 $0xFFFFFFFF;
	p2 =	slt.u32 s8, $0xFFFFF086  }
0x1c: {  	p1 =	slt.u32 s9, $0xF7A;
	s5 =	simm.s32 @!p2 $0x0  }
0x1d: {  	s5 =	simm.s32 @p1 $0x1;
	p0 =	seq.s32 s7, s2  }
0x1e: {  	s7 =	smul.u32 @!p0 $0xF7A, s2;
	p2 =	seq.s32 @!p0 s5, $0x0  }
0x1f: {  	s9 =	smul.u32 $0xF7A, s1;
	s8 =	simm.s32 @!p0 $0x1BF5;
	p2 =	por !p2, p0  }
0x20: {  	[sflag:s8] =	ssyncset.s32 @!p0 $0xFFFFF086;
	s6 =	sadd.s32 @!p0 s3, s7;
	s7 =	simm.s32 @!p0 $0x108  }
0x21: {  	s3 =	sadd.s32 s3, s9;
	s6 =	sadd.s32 @!p0 $0x88, s6;
	s7 =	simm.s32 @p2 $0x1082  }
0x22: {  	[simem:s7], [sflag:s8] =	dma.local @!p0 [hbm:s6], $0xF7A  }
0x23: {  	s9 =	sor.u32 $0xD0000000, s2;
	s6 =	simm.s32 $0x108;
	_ =	swait.ge @!p0 [sflag:s8], $0x0  }
0x24: {  	s3 =	sadd.s32 $0x88, s3;
	s6 =	simm.s32 @!p1 $0x1082;
	[sflag:s4] =	ssyncset.s32 $0xFFFFF086  }
0x25: {  	[simem:s6], [sflag:s4] =	dma.local [hbm:s3], $0xF7A  }
0x26: {  	[smem:$0x3F97] =	sst s1;
	(tag) =	ssettag s2;
	_ =	strace s9  }
0x27: {  	s1 =	sld [smem:$0x3FA7]  }
0x28: {  	s2 =	sld [smem:$0x3FA8]  }
0x29: {  	s4 =	sld [smem:$0x3FAA]  }
0x2a: {  	p0 =	seq.s32 s5, $0x0;
	s5 =	sld [smem:$0x3FAB]  }
0x2b: {  	s6 =	sld [smem:$0x3FAC]  }
0x2c: {  	s7 =	sld [smem:$0x3FAD]  }
0x2d: {  	s3 =	simm.s32 $0x108;
	s8 =	sld [smem:$0x3FAE]  }
0x2e: {  	s3 =	simm.s32 @!p0 $0x1082;
	s9 =	sld [smem:$0x3FAF]  }
0x2f: {  	lr =	sadd.s32 s0, s3;
	s0 =	sld [smem:$0x3FA6]  }
0x30: {  	s3 =	sld [smem:$0x3FA9]  }
0x31: {  	[smem:$0x3FB2] =	sst s10  }
0x32: {  	s10 =	sld [smem:$0x3FB0];
	_ =	sdelay $0x3  }
0x33: {  	p0 =	seq.s32 s10, $0x1;
	s10 =	sld [smem:$0x3FB2];
	_ =	sdelay $0x3  }
0x34: {  	[smem:$0x3FB2] =	sst s10  }
0x35: {  	s10 =	sld [smem:$0x3FB1];
	_ =	sdelay $0x3  }
0x36: {  	p1 =	seq.s32 s10, $0x1;
	s10 =	sld [smem:$0x3FB2];
	_ =	sdelay $0x3  }
0x37: {  	[smem:$0x3FB2] =	sst s10  }
0x38: {  	s10 =	sld [smem:$0x3FB3]  }
0x39: {  	_ = 	snop;
	(pc) =	sbr.ind lr, $3  }
0x3a: {  	_ = 	snop  }
0x3b: {  	_ = 	snop  }
0x3c: {  	p2 =	seq.s32 s10, $0x1;
	s10 =	sld [smem:$0x3FB2]  }
0x3d: {  	_ =	shalt  }
0x3e: {  	_ =	shalt  }
0x3f: {  	_ =	shalt  }
0x40: {  	_ =	shalt  }
0x41: {  	_ =	shalt  }
0x42: {  	_ =	shalt  }
0x43: {  	_ =	shalt  }
0x44: {  	_ =	shalt  }
0x45: {  	_ =	shalt  }
0x46: {  	_ =	shalt  }
0x47: {  	_ =	shalt  }
0x48: {  	_ =	shalt  }
0x49: {  	_ =	shalt  }
0x4a: {  	_ =	shalt  }
0x4b: {  	_ =	shalt  }
0x4c: {  	_ =	shalt  }
0x4d: {  	_ =	shalt  }
0x4e: {  	_ =	shalt  }
0x4f: {  	_ =	shalt  }
0x50: {  	_ =	shalt  }
0x51: {  	_ =	shalt  }
0x52: {  	_ =	shalt  }
0x53: {  	_ =	shalt  }
0x54: {  	_ =	shalt  }
0x55: {  	_ =	shalt  }
0x56: {  	_ =	shalt  }
0x57: {  	_ =	shalt  }
0x58: {  	_ =	shalt  }
0x59: {  	_ =	shalt  }
0x5a: {  	_ =	shalt  }
0x5b: {  	_ =	shalt  }
0x5c: {  	_ =	shalt  }
0x5d: {  	_ =	shalt  }
0x5e: {  	_ =	shalt  }
0x5f: {  	_ =	shalt  }
0x60: {  	_ =	shalt  }
0x61: {  	_ =	shalt  }
0x62: {  	_ =	shalt  }
0x63: {  	_ =	shalt  }
0x64: {  	_ =	shalt  }
0x65: {  	_ =	shalt  }
0x66: {  	_ =	shalt  }
0x67: {  	_ =	shalt  }
0x68: {  	_ =	shalt  }
0x69: {  	_ =	shalt  }
0x6a: {  	_ =	shalt  }
0x6b: {  	_ =	shalt  }
0x6c: {  	_ =	shalt  }
0x6d: {  	_ =	shalt  }
0x6e: {  	_ =	shalt  }
0x6f: {  	_ =	shalt  }
0x70: {  	_ =	shalt  }
0x71: {  	_ =	shalt  }
0x72: {  	_ =	shalt  }
0x73: {  	_ =	shalt  }
0x74: {  	_ =	shalt  }
0x75: {  	_ =	shalt  }
0x76: {  	_ =	shalt  }
0x77: {  	_ =	shalt  }
0x78: {  	_ =	shalt  }
0x79: {  	_ =	shalt  }
0x7a: {  	_ =	shalt  }
0x7b: {  	_ =	shalt  }
0x7c: {  	_ =	shalt  }
0x7d: {  	_ =	shalt  }
0x7e: {  	_ =	shalt  }
0x7f: {  	_ =	shalt  }
0x80: {  	_ =	shalt  }
0x81: {  	_ =	shalt  }
0x82: {  	_ =	shalt  }
0x83: {  	_ =	shalt  }
0x84: {  	_ =	shalt  }
0x85: {  	_ =	shalt  }
0x86: {  	_ =	shalt  }
0x87: {  	_ =	shalt  }
.Lfunc_end0:
.L_simem_size_0:
called_computation.1_lowered:
.L_overlay_start_0:
0x88: {  	s2 =	sld [smem:$0x3FD9]  }
0x89: {  	s3 =	sld [smem:$0x3FFE];
	_ =	sdelay $0x1  }
0x8a: {  	s1 =	srdreg.scid  }
0x8b: {  	s0 =	sand.u32 $0x1, s1  }
0x8c: {  	s16 =	sshll.u32 s0, $0xA;
	s2 =	sadd.s32 s3, s2  }
0x8d: {  	s2 =	sadd.s32 s2, s16  }
0x8e: {  	[smem:$0x3FBE] =	sst s2  }
0x8f: {  	_ = 	snop  }
0x90: {  	(tm) =	ssettm $0x1  }
0x91: {  	s17 =	sld [smem:$0x3FFB];
	_ =	sdelay $0x3  }
0x92: {  	_ =	strace s17  }
0x93: {  	s2 =	sld [smem:$0x3FFC];
	_ =	sdelay $0x3  }
0x94: {  	_ =	strace s2  }
0x95: {  	s2 =	sld [smem:$0x3FFD];
	_ =	sdelay $0x3  }
0x96: {  	_ =	strace s2  }
0x97: {  	_ =	strace $0x8FFFFFFF  }
0x98: {  	s18 =	sld [smem:$0x3FDB];
	_ =	sdelay $0x1  }
0x99: {  	s19 =	simm.s32 $_scs_section_size  }
0x9a: {  	s4 =	simm.s32 $_size__tile_overlayer_lowered;
	s5 =	simm.s32 $_tile_overlayer_lowered  }
0x9b: {  	s22 =	simm.s32 $0x1BFF;
	s21 =	sshll.u32 s5, $0x1;
	s2 =	sadd.s32 s19, s18  }
0x9c: {  	s6 =	simm.s32 $0x0;
	s20 =	sshll.u32 s4, $0x1;
	s4 =	sadd.s32 s21, s2  }
0x9d: {  	[timem:s6], [sflag:s22] =	dma.local [hbm:s4], s20  }
0x9e: {  	_ =	swait.ge [sflag:s22], s20  }
0x9f: {  	s3 =	ssub.s32 $0x0, s20;
	[sflag:s22] =	ssyncset.done $0x0  }
0xa0: {  	[sflag:s22] =	ssyncadd.s32 s3;
	_ =	sdelay $0x1  }
0xa1: {  	s23 =	simm.s32 $0x1B8B  }
0xa2: {  	_ =	swait.ge [sflag:s23], $0x1  }
0xa3: {  	[sflag:s23] =	ssyncset.done $0x0  }
0xa4: {  	s25 =	simm.s32 $0x1B8E;
	s24 =	sld [smem:$0x3FFE];
	[sflag:s23] =	ssyncadd.s32 $0xFFFFFFFF  }
0xa5: {  	s26 =	simm.s32 $execute0_lowered;
	[smem:$0x3FD2] =	sst s25  }
0xa6: {  	s4 =	sshll.u32 s26, $0x1;
	_ =	strace $0x80000049;
	[dreg:$0x1] =	wrdreg $0xFFFFFFFF  }
0xa7: {  	s28 =	simm.s32 $_size_execute0_lowered;
	s2 =	sadd.s32 s2, s4;
	[dreg:$0x0] =	wrdreg $0x0  }
0xa8: {  	s4 =	sshll.u32 s28, $0x1;
	[dreg:$0x2] =	wrdreg s2  }
0xa9: {  	[dreg:$0x3] =	wrdreg s4  }
0xaa: {  	[dreg:$0x4] =	wrdreg $0xC0  }
0xab: {  	_ =	task [dreg:s6], $0x5FFFF  }
0xac: {  	[dreg:$0x1] =	wrdreg $0xFFFFFFFF  }
0xad: {  	[dreg:$0x0] =	wrdreg $0x60  }
0xae: {  	[dreg:$0x2] =	wrdreg s24  }
0xaf: {  	[dreg:$0x3] =	wrdreg $0x9  }
0xb0: {  	_ =	task.clear_ibuf [dreg:s6], $0x4FFFF;
	_ =	strace $0x90000049  }
0xb1: {  	s29 =	simm.s32 $0x9;
	_ =	strace $0x8000004B  }
0xb2: {  	_ =	swait.ge [sflag:s29], $0x1  }
0xb3: {  	[sflag:s29] =	ssyncadd.s32 $0xFFFFFFFF  }
0xb4: {  	_ =	strace $0x9000004B  }
0xb5: {  	_ =	sfence  }
0xb6: {  	s30 =	sld [smem:$0x0];
	_ =	sdelay $0x2  }
0xb7: {  	s31 =	sshll.u32 s1, $0xD;
	s1 =	sshrl.u32 s1, $0x2  }
0xb8: {  	s3 =	sand.u32 $0x4000, s31;
	s1 =	sadd.s32 s1, s30  }
0xb9: {  	s0 =	sor.u32 s3, s0;
	s1 =	sshll.u32 s1, $0x11  }
0xba: {  	s0 =	sor.u32 s1, s0  }
0xbb: {  	s0 =	sadd.s32 $0x8F2B, s0  }
0xbc: {  	[sflag:s0] =	ssyncadd.remote.s32 $0x1  }
0xbd: {  	_ =	sfence.sel $0xFFFF  }
0xbe: {  	[dreg:$0x0] =	wrdreg $0xFFFFFFFF;
	(pc) =	sbr.abs _section_cstart, $3  }
0xbf: {  	[dreg:$0x1] =	wrdreg $0xFFFFFFFF  }
0xc0: {  	_ =	task.clear_ibuf [dreg:s6], $0x2FFFF;
	_ =	strace $0x9FFFFFFF  }
0xc1: {  	(tm) =	ssettm $0x7FFFFFFF  }
tec
execute0_lowered:
.L_overlay_start_1:
0x0: {  	(tag) =	ssettag $0x1  }
0x1: {  	s1 =	srdreg.scid;
	s0 =	stileid.u32  }
0x2: {  	s6 =	rddreg [dreg:$0x0];
	s7 =	simm.s32 $0x1;
	s1 =	sshll.u32 s1, $0x5  }
0x3: {  	s30 =	simm.s32 $0x2;
	s2 =	sshll.u32 s0, $0x6;
	s3 =	sand.u32 $0x20, s1  }
0x4: {  	s31 =	simm.s32 $0x3;
	s11 =	simm.s32 $0x0;
	s2 =	sor.u32 s2, s3  }
0x5: {  	s9 =	simm.s32 $0x0;
	s4 =	sadd.s32 $0x40800, s6;
	s5 =	ssub.s32 $0x800, s2  }
0x6: {  	s1 =	rddreg [dreg:$0x1];
	_ =	strace $0x8000004A;
	s8 =	sand.u32 $0x3E0, s5  }
0x7: {  	s3 =	sadd.s32 $0x40200, s6;
	[sflag:s7] =	ssyncpa.u1 $0x0;
	p0 =	sne.s32 s8, $0x0  }
0x8: {  	s6 =	sadd.s32 $0x4E000, s6;
	s5 =	sshrl.u32 s5, $0xA;
	s7 =	simm.s32 @!p0 $0x0  }
0x9: {  	[sflag:s30] =	ssyncpa.u1 $0x0;
	s10 =	smov.u32 s2;
	s5 =	sadd.s32 s7, s5  }
0xa: {  	[sflag:s31] =	ssyncpa.u1 $0x0;
	s8 =	simm.s32 $0x0;
	s7 =	sadd.s32 $0x1, s5  }
.LBB2_1:
0xb: {  	p0 =	sge.u32 s9, s5  }
0xc: {  	s31 =	sadd.s32 $0xFFFFFFFF, s9;
	s12 =	sxor.u32 @!p0 $0xFFFFFFFF, s8;
	s13 =	sshrl.u32 @!p0 s10, $0x3  }
0xd: {  	s14 =	sand.u32 @!p0 $0x7, s10;
	s12 =	sand.u32 @!p0 $0x20, s12;
	s13 =	sadd.s32 @!p0 s4, s13  }
0xe: {  	[tilespmem:s12], [sflag:$0x2] =	stream.linear.gather @!p0 [hbm4b:s13+s14], $0x20, $0x38;
	[tilespmem:$0x80] =	vst v63  }
0xf: {  	p0 =	sge.u32 s31, s5  }
0x10: {  	s12 =	simm.s32 @!p0 $0x2  }
0x11: {  	_ =	swait.ge @!p0 [sflag:s12], $0x20  }
0x12: {  	[sflag:s12] =	ssyncset.done @!p0 $0x0  }
0x13: {  	[sflag:s12] =	ssyncadd.s32 @!p0 $0xFFFFFFE0;
	s12 =	sand.u32 @!p0 $0x20, s8  }
0x14: {  	(ifvalue) =	ssetifvalue @!p0 $0x7FFFFFFF;
	v0 =	vld.msk @!p0 [tilespmem:s12+$0x0 ss:$0x1], $0xffff;
	_ =	sdelay $0x4  }
0x15: {  	vm0 =	vgt.s32 @!p0 v0, $0x0  }
0x16: {  	v0 =	vnsel @!p0 vm0, $0x0, v0  }
0x17: {  	v0 =	vmin.u32 @!p0 v0, $0x7FF;
	_ =	sdelay $0x2  }
0x18: {  	s14 =	simm.s32 @!p0 $0x0  }
0x19: {  	s13 =	sor.u32 @!p0 $0x40, s12;
	(ifvalue) =	ssetifvalue @!p0 $0x7FFFFFFF;
	s15 =	sor.u32 @!p0 $0x10, s12;
	vm0 =	vmmov @!p0 $0xffff  }
0x1a: {  	[tilespmem:s13], [sflag:$0x1] =	stream.indirect_vreg.gather @!p0 [hbm4b:s3+s14], $0x1, v0, vm0, $0x4038;
	[tilespmem:$0x80] =	vst v63  }
0x1b: {  	v0 =	vld.msk @!p0 [tilespmem:s15+$0x0 ss:$0x1], $0xffff;
	_ =	sdelay $0x4  }
0x1c: {  	vm1 =	vgt.s32 @!p0 v0, $0x0  }
0x1d: {  	v0 =	vnsel @!p0 vm1, $0x0, v0  }
0x1e: {  	v0 =	vmin.u32 @!p0 v0, $0x7FF;
	_ =	sdelay $0x3  }
0x1f: {  	s12 =	sor.u32 @!p0 $0x50, s12;
	(ifvalue) =	ssetifvalue @!p0 $0x7FFFFFFF  }
0x20: {  	[tilespmem:s12], [sflag:$0x1] =	stream.indirect_vreg.gather @!p0 [hbm4b:s3+s14], $0x1, v0, vm0, $0x4038;
	[tilespmem:$0x80] =	vst v63  }
0x21: {  	s12 =	simm.s32 @!p0 $0x1  }
0x22: {  	_ =	swait.ge @!p0 [sflag:s12], $0x20  }
0x23: {  	s14 =	sshrl.u32 @!p0 s11, $0x3;
	[sflag:s12] =	ssyncset.done @!p0 $0x0  }
0x24: {  	s11 =	sand.u32 @!p0 $0x7, s11;
	[sflag:s12] =	ssyncadd.s32 @!p0 $0xFFFFFFE0;
	s12 =	sadd.s32 @!p0 s6, s14  }
0x25: {  	[hbm4b:s12+s11] =	stream.linear.scatter @!p0 [tilespmem:s13], [sflag:$0x3], $0x20, $0x38;
	[tilespmem:$0x80] =	vst v63  }
0x26: {  	s13 =	sadd.s32 $0x400, s10  }
0x27: {  	p1 =	sgt.s32 s13, $0x7FF  }
0x28: {  	s13 =	smov.u32 @p1 s2;
	p1 =	sne.s32 s9, s7  }
.Ltmp0:
0x29: {  	p0 =	slt.u32 s9, $0x2;
	(pc) =	sbr.rel @p1 .LBB2_1-.Ltmp0, $4  }
0x2a: {  	s12 =	simm.s32 @!p0 $0x3  }
0x2b: {  	_ =	swait.ge @!p0 [sflag:s12], $0x20  }
0x2c: {  	s8 =	sadd.s32 $0x20, s8;
	s11 =	smov.u32 s10;
	[sflag:s12] =	ssyncset.done @!p0 $0x0  }
0x2d: {  	s9 =	sadd.s32 $0x1, s9;
	s10 =	smov.u32 s13;
	[sflag:s12] =	ssyncadd.s32 @!p0 $0xFFFFFFE0  }
0x2e: {  	_ =	sfence.sel $0x180000  }
0x2f: {  	s2 =	simm.s32 $0x2;
	[bflag:$0x0] =	sbarrier.arrive $0xFFFF  }
0x30: {  	s30 =	simm.s32 $0x3;
	[sflag:s2] =	ssyncpa.u1 $0x1  }
0x31: {  	s31 =	simm.s32 $0x1;
	[sflag:s30] =	ssyncpa.u1 $0x1  }
0x32: {  	[sflag:s31] =	ssyncpa.u1 $0x1  }
0x33: {  	p0 =	sne.s32 s0, $0x0;
	_ =	strace $0x9000004A  }
0x34: {  	s0 =	sadd.s32 @!p0 $0x100000, s1;
	[bflag:$0x2] =	sbarrier.arrive $0xFFFF  }
0x35: {  	[sflag:s0] =	ssyncadd.tile.s32 @!p0 $0x1;
	_ =	shalt  }
.Lfunc_end2:
_tile_overlayer_lowered:
.L_overlay_start_2:
0x36: {  	(tag) =	ssettag $0x2  }
0x37: {  	s0 =	rddreg [dreg:$0x0];
	s2 =	stileid.u32  }
0x38: {  	s1 =	rddreg [dreg:$0x1];
	p0 =	sne.s32 s2, $0x0  }
0x39: {  	s3 =	rddreg [dreg:$0x2];
	[bflag:$0x3] =	sbarrier.arrive $0xFFFF;
	s2 =	simm.s32 @!p0 $0x1C01  }
0x3a: {  	[timem:s3], [sflag:s2] =	dma.local @!p0 [hbm:s0], s1  }
0x3b: {  	s0 =	simm.s32 @!p0 $0x1  }
0x3c: {  	_ =	swait.ge @!p0 [sflag:s0], s1  }
0x3d: {  	s1 =	ssub.s32 @!p0 $0x0, s1;
	[sflag:s0] =	ssyncset.done @!p0 $0x0  }
0x3e: {  	[sflag:s0] =	ssyncadd.s32 @!p0 s1  }
0x3f: {  	[bflag:$0x3] =	sbarrier.arrive $0xFFFF  }
0x40: {  	_ =	shalt  }

// kernel: kernel.11.cloned.1.call-start
scs
__scs_entry_jumppad:
0x0: {  	(pc) =	sbr.rel $0x88, $3  }
0x1: {  	(tag) =	ssettag $0x0;
	lr =	simm.s32 $0x1  }
0x2: {  	[smem:$0x3F97] =	sst lr;
	_ =	strace $0xD0000000  }
0x3: {  	_ = 	snop  }
0x4: {  	_ = 	snop  }
0x5: {  	_ = 	snop  }
0x6: {  	_ = 	snop  }
0x7: {  	_ = 	snop  }
__scs_overlays_trampoline_lowered:
0x8: {  	[smem:$0x3FA6] =	sst s0  }
0x9: {  	[smem:$0x3FA7] =	sst s1  }
0xa: {  	[smem:$0x3FA8] =	sst s2  }
0xb: {  	[smem:$0x3FA9] =	sst s3  }
0xc: {  	[smem:$0x3FAA] =	sst s4  }
0xd: {  	[smem:$0x3FAB] =	sst s5  }
0xe: {  	[smem:$0x3FAC] =	sst s6  }
0xf: {  	[smem:$0x3FAD] =	sst s7  }
0x10: {  	[smem:$0x3FAE] =	sst s8  }
0x11: {  	[smem:$0x3FAF] =	sst s9;
	s0 =	simm.s32 @!p0 $0x0  }
0x12: {  	s1 =	sld [smem:$0x3F95];
	s0 =	simm.s32 @p0 $0x1  }
0x13: {  	[smem:$0x3FB0] =	sst s0;
	s0 =	simm.s32 @!p1 $0x0  }
0x14: {  	s2 =	sld [smem:$0x3F94];
	s0 =	simm.s32 @p1 $0x1  }
0x15: {  	[smem:$0x3FB1] =	sst s0;
	s0 =	simm.s32 @!p2 $0x0  }
0x16: {  	s3 =	sld [smem:$0x3FDB];
	s0 =	simm.s32 @p2 $0x1  }
0x17: {  	s4 =	simm.s32 $0x1BF5;
	[smem:$0x3FB3] =	sst s0  }
0x18: {  	s0 =	sld [smem:$0x3F96];
	_ =	swait.ge [sflag:s4], $0x0  }
0x19: {  	s7 =	sld [smem:$0x3F97]  }
0x1a: {  	s8 =	sadd.s32 $0xFFFFE003, lr  }
0x1b: {  	s9 =	sadd.s32 $0xFFFFFEF7, lr;
	s5 =	simm.s32 $0xFFFFFFFF;
	p2 =	slt.u32 s8, $0xFFFFF086  }
0x1c: {  	p1 =	slt.u32 s9, $0xF7A;
	s5 =	simm.s32 @!p2 $0x0  }
0x1d: {  	s5 =	simm.s32 @p1 $0x1;
	p0 =	seq.s32 s7, s2  }
0x1e: {  	s7 =	smul.u32 @!p0 $0xF7A, s2;
	p2 =	seq.s32 @!p0 s5, $0x0  }
0x1f: {  	s9 =	smul.u32 $0xF7A, s1;
	s8 =	simm.s32 @!p0 $0x1BF5;
	p2 =	por !p2, p0  }
0x20: {  	[sflag:s8] =	ssyncset.s32 @!p0 $0xFFFFF086;
	s6 =	sadd.s32 @!p0 s3, s7;
	s7 =	simm.s32 @!p0 $0x108  }
0x21: {  	s3 =	sadd.s32 s3, s9;
	s6 =	sadd.s32 @!p0 $0x88, s6;
	s7 =	simm.s32 @p2 $0x1082  }
0x22: {  	[simem:s7], [sflag:s8] =	dma.local @!p0 [hbm:s6], $0xF7A  }
0x23: {  	s9 =	sor.u32 $0xD0000000, s2;
	s6 =	simm.s32 $0x108;
	_ =	swait.ge @!p0 [sflag:s8], $0x0  }
0x24: {  	s3 =	sadd.s32 $0x88, s3;
	s6 =	simm.s32 @!p1 $0x1082;
	[sflag:s4] =	ssyncset.s32 $0xFFFFF086  }
0x25: {  	[simem:s6], [sflag:s4] =	dma.local [hbm:s3], $0xF7A  }
0x26: {  	[smem:$0x3F97] =	sst s1;
	(tag) =	ssettag s2;
	_ =	strace s9  }
0x27: {  	s1 =	sld [smem:$0x3FA7]  }
0x28: {  	s2 =	sld [smem:$0x3FA8]  }
0x29: {  	s4 =	sld [smem:$0x3FAA]  }
0x2a: {  	p0 =	seq.s32 s5, $0x0;
	s5 =	sld [smem:$0x3FAB]  }
0x2b: {  	s6 =	sld [smem:$0x3FAC]  }
0x2c: {  	s7 =	sld [smem:$0x3FAD]  }
0x2d: {  	s3 =	simm.s32 $0x108;
	s8 =	sld [smem:$0x3FAE]  }
0x2e: {  	s3 =	simm.s32 @!p0 $0x1082;
	s9 =	sld [smem:$0x3FAF]  }
0x2f: {  	lr =	sadd.s32 s0, s3;
	s0 =	sld [smem:$0x3FA6]  }
0x30: {  	s3 =	sld [smem:$0x3FA9]  }
0x31: {  	[smem:$0x3FB2] =	sst s10  }
0x32: {  	s10 =	sld [smem:$0x3FB0];
	_ =	sdelay $0x3  }
0x33: {  	p0 =	seq.s32 s10, $0x1;
	s10 =	sld [smem:$0x3FB2];
	_ =	sdelay $0x3  }
0x34: {  	[smem:$0x3FB2] =	sst s10  }
0x35: {  	s10 =	sld [smem:$0x3FB1];
	_ =	sdelay $0x3  }
0x36: {  	p1 =	seq.s32 s10, $0x1;
	s10 =	sld [smem:$0x3FB2];
	_ =	sdelay $0x3  }
0x37: {  	[smem:$0x3FB2] =	sst s10  }
0x38: {  	s10 =	sld [smem:$0x3FB3]  }
0x39: {  	_ = 	snop;
	(pc) =	sbr.ind lr, $3  }
0x3a: {  	_ = 	snop  }
0x3b: {  	_ = 	snop  }
0x3c: {  	p2 =	seq.s32 s10, $0x1;
	s10 =	sld [smem:$0x3FB2]  }
0x3d: {  	_ =	shalt  }
0x3e: {  	_ =	shalt  }
0x3f: {  	_ =	shalt  }
0x40: {  	_ =	shalt  }
0x41: {  	_ =	shalt  }
0x42: {  	_ =	shalt  }
0x43: {  	_ =	shalt  }
0x44: {  	_ =	shalt  }
0x45: {  	_ =	shalt  }
0x46: {  	_ =	shalt  }
0x47: {  	_ =	shalt  }
0x48: {  	_ =	shalt  }
0x49: {  	_ =	shalt  }
0x4a: {  	_ =	shalt  }
0x4b: {  	_ =	shalt  }
0x4c: {  	_ =	shalt  }
0x4d: {  	_ =	shalt  }
0x4e: {  	_ =	shalt  }
0x4f: {  	_ =	shalt  }
0x50: {  	_ =	shalt  }
0x51: {  	_ =	shalt  }
0x52: {  	_ =	shalt  }
0x53: {  	_ =	shalt  }
0x54: {  	_ =	shalt  }
0x55: {  	_ =	shalt  }
0x56: {  	_ =	shalt  }
0x57: {  	_ =	shalt  }
0x58: {  	_ =	shalt  }
0x59: {  	_ =	shalt  }
0x5a: {  	_ =	shalt  }
0x5b: {  	_ =	shalt  }
0x5c: {  	_ =	shalt  }
0x5d: {  	_ =	shalt  }
0x5e: {  	_ =	shalt  }
0x5f: {  	_ =	shalt  }
0x60: {  	_ =	shalt  }
0x61: {  	_ =	shalt  }
0x62: {  	_ =	shalt  }
0x63: {  	_ =	shalt  }
0x64: {  	_ =	shalt  }
0x65: {  	_ =	shalt  }
0x66: {  	_ =	shalt  }
0x67: {  	_ =	shalt  }
0x68: {  	_ =	shalt  }
0x69: {  	_ =	shalt  }
0x6a: {  	_ =	shalt  }
0x6b: {  	_ =	shalt  }
0x6c: {  	_ =	shalt  }
0x6d: {  	_ =	shalt  }
0x6e: {  	_ =	shalt  }
0x6f: {  	_ =	shalt  }
0x70: {  	_ =	shalt  }
0x71: {  	_ =	shalt  }
0x72: {  	_ =	shalt  }
0x73: {  	_ =	shalt  }
0x74: {  	_ =	shalt  }
0x75: {  	_ =	shalt  }
0x76: {  	_ =	shalt  }
0x77: {  	_ =	shalt  }
0x78: {  	_ =	shalt  }
0x79: {  	_ =	shalt  }
0x7a: {  	_ =	shalt  }
0x7b: {  	_ =	shalt  }
0x7c: {  	_ =	shalt  }
0x7d: {  	_ =	shalt  }
0x7e: {  	_ =	shalt  }
0x7f: {  	_ =	shalt  }
0x80: {  	_ =	shalt  }
0x81: {  	_ =	shalt  }
0x82: {  	_ =	shalt  }
0x83: {  	_ =	shalt  }
0x84: {  	_ =	shalt  }
0x85: {  	_ =	shalt  }
0x86: {  	_ =	shalt  }
0x87: {  	_ =	shalt  }
.Lfunc_end0:
.L_simem_size_0:
called_computation.3_lowered:
.L_overlay_start_0:
0x88: {  	s2 =	sld [smem:$0x3FD9]  }
0x89: {  	s3 =	sld [smem:$0x3FFE];
	_ =	sdelay $0x1  }
0x8a: {  	s1 =	srdreg.scid  }
0x8b: {  	s0 =	sand.u32 $0x1, s1  }
0x8c: {  	s16 =	sshll.u32 s0, $0xA;
	s2 =	sadd.s32 s3, s2  }
0x8d: {  	s2 =	sadd.s32 s2, s16  }
0x8e: {  	[smem:$0x3FBE] =	sst s2  }
0x8f: {  	_ = 	snop  }
0x90: {  	(tm) =	ssettm $0x1  }
0x91: {  	s17 =	sld [smem:$0x3FFB];
	_ =	sdelay $0x3  }
0x92: {  	_ =	strace s17  }
0x93: {  	s2 =	sld [smem:$0x3FFC];
	_ =	sdelay $0x3  }
0x94: {  	_ =	strace s2  }
0x95: {  	s2 =	sld [smem:$0x3FFD];
	_ =	sdelay $0x3  }
0x96: {  	_ =	strace s2  }
0x97: {  	_ =	strace $0x8FFFFFFF  }
0x98: {  	s18 =	sld [smem:$0x3FDB];
	_ =	sdelay $0x1  }
0x99: {  	s19 =	simm.s32 $_scs_section_size  }
0x9a: {  	s4 =	simm.s32 $_size__tile_overlayer_lowered;
	s5 =	simm.s32 $_tile_overlayer_lowered  }
0x9b: {  	s22 =	simm.s32 $0x1BFF;
	s21 =	sshll.u32 s5, $0x1;
	s2 =	sadd.s32 s19, s18  }
0x9c: {  	s6 =	simm.s32 $0x0;
	s20 =	sshll.u32 s4, $0x1;
	s4 =	sadd.s32 s21, s2  }
0x9d: {  	[timem:s6], [sflag:s22] =	dma.local [hbm:s4], s20  }
0x9e: {  	_ =	swait.ge [sflag:s22], s20  }
0x9f: {  	s3 =	ssub.s32 $0x0, s20;
	[sflag:s22] =	ssyncset.done $0x0  }
0xa0: {  	[sflag:s22] =	ssyncadd.s32 s3;
	_ =	sdelay $0x1  }
0xa1: {  	s23 =	simm.s32 $0x1B8B  }
0xa2: {  	_ =	swait.ge [sflag:s23], $0x1  }
0xa3: {  	[sflag:s23] =	ssyncset.done $0x0  }
0xa4: {  	s25 =	simm.s32 $0x1B8E;
	s24 =	sld [smem:$0x3FFE];
	[sflag:s23] =	ssyncadd.s32 $0xFFFFFFFF  }
0xa5: {  	s26 =	simm.s32 $execute0_lowered;
	[smem:$0x3FD2] =	sst s25  }
0xa6: {  	s4 =	sshll.u32 s26, $0x1;
	_ =	strace $0x8000004F;
	[dreg:$0x1] =	wrdreg $0xFFFFFFFF  }
0xa7: {  	s28 =	simm.s32 $_size_execute0_lowered;
	s2 =	sadd.s32 s2, s4;
	[dreg:$0x0] =	wrdreg $0x0  }
0xa8: {  	s4 =	sshll.u32 s28, $0x1;
	[dreg:$0x2] =	wrdreg s2  }
0xa9: {  	[dreg:$0x3] =	wrdreg s4  }
0xaa: {  	[dreg:$0x4] =	wrdreg $0xC0  }
0xab: {  	_ =	task [dreg:s6], $0x5FFFF  }
0xac: {  	[dreg:$0x1] =	wrdreg $0xFFFFFFFF  }
0xad: {  	[dreg:$0x0] =	wrdreg $0x60  }
0xae: {  	[dreg:$0x2] =	wrdreg s24  }
0xaf: {  	[dreg:$0x3] =	wrdreg $0x9  }
0xb0: {  	_ =	task.clear_ibuf [dreg:s6], $0x4FFFF;
	_ =	strace $0x9000004F  }
0xb1: {  	s29 =	simm.s32 $0x9;
	_ =	strace $0x80000051  }
0xb2: {  	_ =	swait.ge [sflag:s29], $0x1  }
0xb3: {  	[sflag:s29] =	ssyncadd.s32 $0xFFFFFFFF  }
0xb4: {  	_ =	strace $0x90000051  }
0xb5: {  	_ =	sfence  }
0xb6: {  	s30 =	sld [smem:$0x0];
	_ =	sdelay $0x2  }
0xb7: {  	s31 =	sshll.u32 s1, $0xD;
	s1 =	sshrl.u32 s1, $0x2  }
0xb8: {  	s3 =	sand.u32 $0x4000, s31;
	s1 =	sadd.s32 s1, s30  }
0xb9: {  	s0 =	sor.u32 s3, s0;
	s1 =	sshll.u32 s1, $0x11  }
0xba: {  	s0 =	sor.u32 s1, s0  }
0xbb: {  	s0 =	sadd.s32 $0x8F2B, s0  }
0xbc: {  	[sflag:s0] =	ssyncadd.remote.s32 $0x1  }
0xbd: {  	_ =	sfence.sel $0xFFFF  }
0xbe: {  	[dreg:$0x0] =	wrdreg $0xFFFFFFFF;
	(pc) =	sbr.abs _section_cstart, $3  }
0xbf: {  	[dreg:$0x1] =	wrdreg $0xFFFFFFFF  }
0xc0: {  	_ =	task.clear_ibuf [dreg:s6], $0x2FFFF;
	_ =	strace $0x9FFFFFFF  }
0xc1: {  	(tm) =	ssettm $0x7FFFFFFF  }
tec
execute0_lowered:
.L_overlay_start_1:
0x0: {  	(tag) =	ssettag $0x1  }
0x1: {  	s8 =	rddreg [dreg:$0x0]  }
0x2: {  	s0 =	rddreg [dreg:$0x1]  }
0x3: {  	s3 =	srdreg.scid;
	s1 =	stileid.u32  }
0x4: {  	s2 =	simm.s32 $0x0;
	s12 =	simm.s32 $0x2;
	s13 =	simm.s32 $0x80  }
0x5: {  	s14 =	simm.s32 $0x880;
	s15 =	simm.s32 $0x1080;
	s16 =	simm.s32 $0x1880  }
0x6: {  	s17 =	simm.s32 $0x2080;
	s18 =	simm.s32 $0x2880;
	s19 =	simm.s32 $0x3080  }
0x7: {  	s20 =	simm.s32 $0x3880;
	s21 =	simm.s32 $0x4080;
	s22 =	simm.s32 $0x4880  }
0x8: {  	s23 =	simm.s32 $0x5080;
	s24 =	simm.s32 $0x5880;
	s25 =	simm.s32 $0x6080  }
0x9: {  	s26 =	simm.s32 $0x6880;
	s28 =	simm.s32 $0x7080;
	s29 =	simm.s32 $0x7880  }
0xa: {  	s30 =	simm.s32 $0x1;
	s3 =	sand.u32 $0x1, s3;
	s4 =	sshll.u32 s1, $0x1  }
0xb: {  	[smem:$0x7FF] =	sst s2;
	s6 =	sor.u32 s3, s4;
	s31 =	ssub.s32 $0x2, s3  }
0xc: {  	_ =	strace $0x80000050;
	s3 =	sadd.s32 $0x18E200, s8;
	s5 =	sshll.u32 s6, $0x5  }
0xd: {  	s7 =	sshrl.u32 s31, $0x1;
	s10 =	sshll.u32 s6, $0xD;
	s6 =	sadd.s32 $0x18E400, s8  }
0xe: {  	v2 =	vlaneseq.u32;
	s9 =	sadd.s32 s5, s8;
	s11 =	ssub.s32 s31, s7;
	s5 =	sadd.s32 $0x18E300, s8  }
0xf: {  	vm0 =	vmmov $0xffff;
	v1 =	vshrl.u32 v2, $0x3;
	s7 =	sadd.s32 $0x18E500, s8;
	s8 =	sadd.s32 s8, s10;
	s4 =	sadd.s32 $0x40200, s9  }
0x10: {  	v0 =	vand.u32 $0x7, v2;
	v2 =	vor.u32 $0x8, v2;
	v1 =	vmul.u32 $0x8, v1;
	s9 =	sadd.s32 $0x40210, s9;
	s10 =	sadd.s32 $0x1000, s8;
	s11 =	smax.u32 s11, $0x1  }
.LBB2_1:
0x11: {  	[tilespmem:s2], [sflag:$0x2] =	stream.linear.gather [hbm4b:s4+s2], $0x80, $0x38;
	[tilespmem:$0x8080] =	vst v63  }
0x12: {  	_ =	swait.ge [sflag:s12], $0x80  }
0x13: {  	[sflag:s12] =	ssyncset.done $0x0  }
0x14: {  	[sflag:s12] =	ssyncadd.s32 $0xFFFFFF80  }
0x15: {  	v3 =	vld [tilespmem:$0x0];
	_ =	sdelay $0x4  }
0x16: {  	v4 =	vshll.u32 v3, $0x3  }
0x17: {  	v3 =	vand.u32 $0x7, v3;
	v4 =	vand.u32 $0xFFFFFFC0, v4  }
0x18: {  	v3 =	vor.u32 v3, v4  }
0x19: {  	v4 =	vperm.xlane v3, v0;
	_ =	sdelay $0x1  }
0x1a: {  	v4 =	vadd.s32 v1, v4;
	_ =	sdelay $0x4  }
0x1b: {  	[tilespmem:s13], [sflag:$0x1] =	stream.indirect_vreg.gather [hbm4b:s3+s2], $0x80, v4, vm0, $0xb8;
	[tilespmem:$0x8080] =	vst v63  }
0x1c: {  	v3 =	vperm.xlane v3, v2  }
0x1d: {  	[tilespmem:s14], [sflag:$0x1] =	stream.indirect_vreg.gather [hbm4b:s5+s2], $0x80, v4, vm0, $0xb8;
	[tilespmem:$0x8080] =	vst v63  }
0x1e: {  	v3 =	vadd.s32 v1, v3  }
0x1f: {  	[tilespmem:s15], [sflag:$0x1] =	stream.indirect_vreg.gather [hbm4b:s6+s2], $0x80, v4, vm0, $0xb8;
	[tilespmem:$0x8080] =	vst v63  }
0x20: {  	_ = 	snop  }
0x21: {  	[tilespmem:s16], [sflag:$0x1] =	stream.indirect_vreg.gather [hbm4b:s7+s2], $0x80, v4, vm0, $0xb8;
	[tilespmem:$0x8080] =	vst v63  }
0x22: {  	_ = 	snop  }
0x23: {  	[tilespmem:s17], [sflag:$0x1] =	stream.indirect_vreg.gather [hbm4b:s3+s2], $0x80, v3, vm0, $0xb8;
	[tilespmem:$0x8080] =	vst v63  }
0x24: {  	_ = 	snop  }
0x25: {  	[tilespmem:s18], [sflag:$0x1] =	stream.indirect_vreg.gather [hbm4b:s5+s2], $0x80, v3, vm0, $0xb8;
	[tilespmem:$0x8080] =	vst v63  }
0x26: {  	_ = 	snop  }
0x27: {  	[tilespmem:s19], [sflag:$0x1] =	stream.indirect_vreg.gather [hbm4b:s6+s2], $0x80, v3, vm0, $0xb8;
	[tilespmem:$0x8080] =	vst v63  }
0x28: {  	_ = 	snop  }
0x29: {  	[tilespmem:s20], [sflag:$0x1] =	stream.indirect_vreg.gather [hbm4b:s7+s2], $0x80, v3, vm0, $0xb8;
	[tilespmem:$0x8080] =	vst v63  }
0x2a: {  	v3 =	vld [tilespmem:$0x10];
	_ =	sdelay $0x4  }
0x2b: {  	v61 =	vshll.u32 v3, $0x3  }
0x2c: {  	v3 =	vand.u32 $0x7, v3;
	v4 =	vand.u32 $0xFFFFFFC0, v61  }
0x2d: {  	v3 =	vor.u32 v3, v4  }
0x2e: {  	v4 =	vperm.xlane v3, v0;
	_ =	sdelay $0x1  }
0x2f: {  	v4 =	vadd.s32 v1, v4;
	_ =	sdelay $0x4  }
0x30: {  	[tilespmem:s21], [sflag:$0x1] =	stream.indirect_vreg.gather [hbm4b:s3+s2], $0x80, v4, vm0, $0xb8;
	[tilespmem:$0x8080] =	vst v63  }
0x31: {  	v3 =	vperm.xlane v3, v2  }
0x32: {  	[tilespmem:s22], [sflag:$0x1] =	stream.indirect_vreg.gather [hbm4b:s5+s2], $0x80, v4, vm0, $0xb8;
	[tilespmem:$0x8080] =	vst v63  }
0x33: {  	v3 =	vadd.s32 v1, v3  }
0x34: {  	[tilespmem:s23], [sflag:$0x1] =	stream.indirect_vreg.gather [hbm4b:s6+s2], $0x80, v4, vm0, $0xb8;
	[tilespmem:$0x8080] =	vst v63  }
0x35: {  	_ = 	snop  }
0x36: {  	[tilespmem:s24], [sflag:$0x1] =	stream.indirect_vreg.gather [hbm4b:s7+s2], $0x80, v4, vm0, $0xb8;
	[tilespmem:$0x8080] =	vst v63  }
0x37: {  	_ = 	snop  }
0x38: {  	[tilespmem:s25], [sflag:$0x1] =	stream.indirect_vreg.gather [hbm4b:s3+s2], $0x80, v3, vm0, $0xb8;
	[tilespmem:$0x8080] =	vst v63  }
0x39: {  	_ = 	snop  }
0x3a: {  	[tilespmem:s26], [sflag:$0x1] =	stream.indirect_vreg.gather [hbm4b:s5+s2], $0x80, v3, vm0, $0xb8;
	[tilespmem:$0x8080] =	vst v63  }
0x3b: {  	_ = 	snop  }
0x3c: {  	[tilespmem:s28], [sflag:$0x1] =	stream.indirect_vreg.gather [hbm4b:s6+s2], $0x80, v3, vm0, $0xb8;
	[tilespmem:$0x8080] =	vst v63  }
0x3d: {  	_ = 	snop  }
0x3e: {  	[tilespmem:s29], [sflag:$0x1] =	stream.indirect_vreg.gather [hbm4b:s7+s2], $0x80, v3, vm0, $0xb8;
	[tilespmem:$0x8080] =	vst v63  }
0x3f: {  	_ =	swait.ge [sflag:s30], $0x8000  }
0x40: {  	[sflag:s30] =	ssyncset.done $0x0  }
0x41: {  	[sflag:s30] =	ssyncadd.s32 $0xFFFF8000  }
0x42: {  	[hbm4b:s8+s2] =	stream.linear.scatter [tilespmem:s13], [sflag:$0x2], $0x8000, $0x38;
	[tilespmem:$0x8080] =	vst v63  }
0x43: {  	_ =	swait.ge [sflag:s12], $0x8000  }
0x44: {  	[sflag:s12] =	ssyncset.done $0x0  }
0x45: {  	[sflag:s12] =	ssyncadd.s32 $0xFFFF8000  }
0x46: {  	[tilespmem:s2], [sflag:$0x2] =	stream.linear.gather [hbm4b:s9+s2], $0x80, $0x38;
	[tilespmem:$0x8080] =	vst v63  }
0x47: {  	_ =	swait.ge [sflag:s12], $0x80  }
0x48: {  	[sflag:s12] =	ssyncset.done $0x0  }
0x49: {  	[sflag:s12] =	ssyncadd.s32 $0xFFFFFF80  }
0x4a: {  	v3 =	vld [tilespmem:$0x0];
	_ =	sdelay $0x4  }
0x4b: {  	v62 =	vshll.u32 v3, $0x3  }
0x4c: {  	v3 =	vand.u32 $0x7, v3;
	v4 =	vand.u32 $0xFFFFFFC0, v62  }
0x4d: {  	v3 =	vor.u32 v3, v4  }
0x4e: {  	v4 =	vperm.xlane v3, v0;
	_ =	sdelay $0x1  }
0x4f: {  	v4 =	vadd.s32 v1, v4;
	_ =	sdelay $0x4  }
0x50: {  	[tilespmem:s13], [sflag:$0x1] =	stream.indirect_vreg.gather [hbm4b:s3+s2], $0x80, v4, vm0, $0xb8;
	[tilespmem:$0x8080] =	vst v63  }
0x51: {  	v3 =	vperm.xlane v3, v2  }
0x52: {  	[tilespmem:s14], [sflag:$0x1] =	stream.indirect_vreg.gather [hbm4b:s5+s2], $0x80, v4, vm0, $0xb8;
	[tilespmem:$0x8080] =	vst v63  }
0x53: {  	v3 =	vadd.s32 v1, v3  }
0x54: {  	[tilespmem:s15], [sflag:$0x1] =	stream.indirect_vreg.gather [hbm4b:s6+s2], $0x80, v4, vm0, $0xb8;
	[tilespmem:$0x8080] =	vst v63  }
0x55: {  	_ = 	snop  }
0x56: {  	[tilespmem:s16], [sflag:$0x1] =	stream.indirect_vreg.gather [hbm4b:s7+s2], $0x80, v4, vm0, $0xb8;
	[tilespmem:$0x8080] =	vst v63  }
0x57: {  	_ = 	snop  }
0x58: {  	[tilespmem:s17], [sflag:$0x1] =	stream.indirect_vreg.gather [hbm4b:s3+s2], $0x80, v3, vm0, $0xb8;
	[tilespmem:$0x8080] =	vst v63  }
0x59: {  	_ = 	snop  }
0x5a: {  	[tilespmem:s18], [sflag:$0x1] =	stream.indirect_vreg.gather [hbm4b:s5+s2], $0x80, v3, vm0, $0xb8;
	[tilespmem:$0x8080] =	vst v63  }
0x5b: {  	_ = 	snop  }
0x5c: {  	[tilespmem:s19], [sflag:$0x1] =	stream.indirect_vreg.gather [hbm4b:s6+s2], $0x80, v3, vm0, $0xb8;
	[tilespmem:$0x8080] =	vst v63  }
0x5d: {  	_ = 	snop  }
0x5e: {  	[tilespmem:s20], [sflag:$0x1] =	stream.indirect_vreg.gather [hbm4b:s7+s2], $0x80, v3, vm0, $0xb8;
	[tilespmem:$0x8080] =	vst v63  }
0x5f: {  	v3 =	vld [tilespmem:$0x10];
	_ =	sdelay $0x4  }
0x60: {  	v63 =	vshll.u32 v3, $0x3  }
0x61: {  	v3 =	vand.u32 $0x7, v3;
	v4 =	vand.u32 $0xFFFFFFC0, v63  }
0x62: {  	v3 =	vor.u32 v3, v4  }
0x63: {  	v4 =	vperm.xlane v3, v0;
	_ =	sdelay $0x1  }
0x64: {  	v4 =	vadd.s32 v1, v4;
	_ =	sdelay $0x4  }
0x65: {  	[tilespmem:s21], [sflag:$0x1] =	stream.indirect_vreg.gather [hbm4b:s3+s2], $0x80, v4, vm0, $0xb8;
	[tilespmem:$0x8080] =	vst v63  }
0x66: {  	v3 =	vperm.xlane v3, v2  }
0x67: {  	[tilespmem:s22], [sflag:$0x1] =	stream.indirect_vreg.gather [hbm4b:s5+s2], $0x80, v4, vm0, $0xb8;
	[tilespmem:$0x8080] =	vst v63  }
0x68: {  	v3 =	vadd.s32 v1, v3  }
0x69: {  	[tilespmem:s23], [sflag:$0x1] =	stream.indirect_vreg.gather [hbm4b:s6+s2], $0x80, v4, vm0, $0xb8;
	[tilespmem:$0x8080] =	vst v63  }
0x6a: {  	_ = 	snop  }
0x6b: {  	[tilespmem:s24], [sflag:$0x1] =	stream.indirect_vreg.gather [hbm4b:s7+s2], $0x80, v4, vm0, $0xb8;
	[tilespmem:$0x8080] =	vst v63  }
0x6c: {  	_ = 	snop  }
0x6d: {  	[tilespmem:s25], [sflag:$0x1] =	stream.indirect_vreg.gather [hbm4b:s3+s2], $0x80, v3, vm0, $0xb8;
	[tilespmem:$0x8080] =	vst v63  }
0x6e: {  	_ = 	snop  }
0x6f: {  	[tilespmem:s26], [sflag:$0x1] =	stream.indirect_vreg.gather [hbm4b:s5+s2], $0x80, v3, vm0, $0xb8;
	[tilespmem:$0x8080] =	vst v63  }
0x70: {  	_ = 	snop  }
0x71: {  	[tilespmem:s28], [sflag:$0x1] =	stream.indirect_vreg.gather [hbm4b:s6+s2], $0x80, v3, vm0, $0xb8;
	[tilespmem:$0x8080] =	vst v63  }
0x72: {  	_ = 	snop  }
0x73: {  	[tilespmem:s29], [sflag:$0x1] =	stream.indirect_vreg.gather [hbm4b:s7+s2], $0x80, v3, vm0, $0xb8;
	[tilespmem:$0x8080] =	vst v63  }
0x74: {  	_ =	swait.ge [sflag:s30], $0x8000  }
0x75: {  	p0 =	sne.s32 s11, $0x1;
	[sflag:s30] =	ssyncset.done $0x0  }
.Ltmp0:
0x76: {  	[sflag:s30] =	ssyncadd.s32 $0xFFFF8000;
	(pc) =	sbr.rel @p0 .LBB2_1-.Ltmp0, $4  }
0x77: {  	[hbm4b:s10+s2] =	stream.linear.scatter [tilespmem:s13], [sflag:$0x2], $0x8000, $0x38;
	[tilespmem:$0x8080] =	vst v63  }
0x78: {  	_ =	swait.ge [sflag:s12], $0x8000  }
0x79: {  	[sflag:s12] =	ssyncset.done $0x0  }
0x7a: {  	s11 =	sadd.s32 $0xFFFFFFFF, s11;
	[sflag:s12] =	ssyncadd.s32 $0xFFFF8000  }
0x7b: {  	_ =	sfence.sel $0x180000  }
0x7c: {  	[bflag:$0x0] =	sbarrier.arrive $0xFFFF  }
0x7d: {  	p0 =	sne.s32 s1, $0x0;
	_ =	strace $0x90000050  }
0x7e: {  	s0 =	sadd.s32 @!p0 $0x100000, s0;
	[bflag:$0x2] =	sbarrier.arrive $0xFFFF  }
0x7f: {  	[sflag:s0] =	ssyncadd.tile.s32 @!p0 $0x1;
	_ =	shalt  }
.Lfunc_end2:
_tile_overlayer_lowered:
.L_overlay_start_2:
0x80: {  	(tag) =	ssettag $0x2  }
0x81: {  	s0 =	rddreg [dreg:$0x0];
	s2 =	stileid.u32  }
0x82: {  	s1 =	rddreg [dreg:$0x1];
	p0 =	sne.s32 s2, $0x0  }
0x83: {  	s3 =	rddreg [dreg:$0x2];
	[bflag:$0x3] =	sbarrier.arrive $0xFFFF;
	s2 =	simm.s32 @!p0 $0x1C02  }
0x84: {  	[timem:s3], [sflag:s2] =	dma.local @!p0 [hbm:s0], s1  }
0x85: {  	s0 =	simm.s32 @!p0 $0x2  }
0x86: {  	_ =	swait.ge @!p0 [sflag:s0], s1  }
0x87: {  	s1 =	ssub.s32 @!p0 $0x0, s1;
	[sflag:s0] =	ssyncset.done @!p0 $0x0  }
0x88: {  	[sflag:s0] =	ssyncadd.s32 @!p0 s1  }
0x89: {  	[bflag:$0x3] =	sbarrier.arrive $0xFFFF  }
0x8a: {  	_ =	shalt  }

// kernel: kernel.8.cloned.1.call-start
scs
__scs_entry_jumppad:
0x0: {  	(pc) =	sbr.rel $0x88, $3  }
0x1: {  	(tag) =	ssettag $0x0;
	lr =	simm.s32 $0x1  }
0x2: {  	[smem:$0x3F97] =	sst lr;
	_ =	strace $0xD0000000  }
0x3: {  	_ = 	snop  }
0x4: {  	_ = 	snop  }
0x5: {  	_ = 	snop  }
0x6: {  	_ = 	snop  }
0x7: {  	_ = 	snop  }
__scs_overlays_trampoline_lowered:
0x8: {  	[smem:$0x3FA6] =	sst s0  }
0x9: {  	[smem:$0x3FA7] =	sst s1  }
0xa: {  	[smem:$0x3FA8] =	sst s2  }
0xb: {  	[smem:$0x3FA9] =	sst s3  }
0xc: {  	[smem:$0x3FAA] =	sst s4  }
0xd: {  	[smem:$0x3FAB] =	sst s5  }
0xe: {  	[smem:$0x3FAC] =	sst s6  }
0xf: {  	[smem:$0x3FAD] =	sst s7  }
0x10: {  	[smem:$0x3FAE] =	sst s8  }
0x11: {  	[smem:$0x3FAF] =	sst s9;
	s0 =	simm.s32 @!p0 $0x0  }
0x12: {  	s1 =	sld [smem:$0x3F95];
	s0 =	simm.s32 @p0 $0x1  }
0x13: {  	[smem:$0x3FB0] =	sst s0;
	s0 =	simm.s32 @!p1 $0x0  }
0x14: {  	s2 =	sld [smem:$0x3F94];
	s0 =	simm.s32 @p1 $0x1  }
0x15: {  	[smem:$0x3FB1] =	sst s0;
	s0 =	simm.s32 @!p2 $0x0  }
0x16: {  	s3 =	sld [smem:$0x3FDB];
	s0 =	simm.s32 @p2 $0x1  }
0x17: {  	s4 =	simm.s32 $0x1BF5;
	[smem:$0x3FB3] =	sst s0  }
0x18: {  	s0 =	sld [smem:$0x3F96];
	_ =	swait.ge [sflag:s4], $0x0  }
0x19: {  	s7 =	sld [smem:$0x3F97]  }
0x1a: {  	s8 =	sadd.s32 $0xFFFFE003, lr  }
0x1b: {  	s9 =	sadd.s32 $0xFFFFFEF7, lr;
	s5 =	simm.s32 $0xFFFFFFFF;
	p2 =	slt.u32 s8, $0xFFFFF086  }
0x1c: {  	p1 =	slt.u32 s9, $0xF7A;
	s5 =	simm.s32 @!p2 $0x0  }
0x1d: {  	s5 =	simm.s32 @p1 $0x1;
	p0 =	seq.s32 s7, s2  }
0x1e: {  	s7 =	smul.u32 @!p0 $0xF7A, s2;
	p2 =	seq.s32 @!p0 s5, $0x0  }
0x1f: {  	s9 =	smul.u32 $0xF7A, s1;
	s8 =	simm.s32 @!p0 $0x1BF5;
	p2 =	por !p2, p0  }
0x20: {  	[sflag:s8] =	ssyncset.s32 @!p0 $0xFFFFF086;
	s6 =	sadd.s32 @!p0 s3, s7;
	s7 =	simm.s32 @!p0 $0x108  }
0x21: {  	s3 =	sadd.s32 s3, s9;
	s6 =	sadd.s32 @!p0 $0x88, s6;
	s7 =	simm.s32 @p2 $0x1082  }
0x22: {  	[simem:s7], [sflag:s8] =	dma.local @!p0 [hbm:s6], $0xF7A  }
0x23: {  	s9 =	sor.u32 $0xD0000000, s2;
	s6 =	simm.s32 $0x108;
	_ =	swait.ge @!p0 [sflag:s8], $0x0  }
0x24: {  	s3 =	sadd.s32 $0x88, s3;
	s6 =	simm.s32 @!p1 $0x1082;
	[sflag:s4] =	ssyncset.s32 $0xFFFFF086  }
0x25: {  	[simem:s6], [sflag:s4] =	dma.local [hbm:s3], $0xF7A  }
0x26: {  	[smem:$0x3F97] =	sst s1;
	(tag) =	ssettag s2;
	_ =	strace s9  }
0x27: {  	s1 =	sld [smem:$0x3FA7]  }
0x28: {  	s2 =	sld [smem:$0x3FA8]  }
0x29: {  	s4 =	sld [smem:$0x3FAA]  }
0x2a: {  	p0 =	seq.s32 s5, $0x0;
	s5 =	sld [smem:$0x3FAB]  }
0x2b: {  	s6 =	sld [smem:$0x3FAC]  }
0x2c: {  	s7 =	sld [smem:$0x3FAD]  }
0x2d: {  	s3 =	simm.s32 $0x108;
	s8 =	sld [smem:$0x3FAE]  }
0x2e: {  	s3 =	simm.s32 @!p0 $0x1082;
	s9 =	sld [smem:$0x3FAF]  }
0x2f: {  	lr =	sadd.s32 s0, s3;
	s0 =	sld [smem:$0x3FA6]  }
0x30: {  	s3 =	sld [smem:$0x3FA9]  }
0x31: {  	[smem:$0x3FB2] =	sst s10  }
0x32: {  	s10 =	sld [smem:$0x3FB0];
	_ =	sdelay $0x3  }
0x33: {  	p0 =	seq.s32 s10, $0x1;
	s10 =	sld [smem:$0x3FB2];
	_ =	sdelay $0x3  }
0x34: {  	[smem:$0x3FB2] =	sst s10  }
0x35: {  	s10 =	sld [smem:$0x3FB1];
	_ =	sdelay $0x3  }
0x36: {  	p1 =	seq.s32 s10, $0x1;
	s10 =	sld [smem:$0x3FB2];
	_ =	sdelay $0x3  }
0x37: {  	[smem:$0x3FB2] =	sst s10  }
0x38: {  	s10 =	sld [smem:$0x3FB3]  }
0x39: {  	_ = 	snop;
	(pc) =	sbr.ind lr, $3  }
0x3a: {  	_ = 	snop  }
0x3b: {  	_ = 	snop  }
0x3c: {  	p2 =	seq.s32 s10, $0x1;
	s10 =	sld [smem:$0x3FB2]  }
0x3d: {  	_ =	shalt  }
0x3e: {  	_ =	shalt  }
0x3f: {  	_ =	shalt  }
0x40: {  	_ =	shalt  }
0x41: {  	_ =	shalt  }
0x42: {  	_ =	shalt  }
0x43: {  	_ =	shalt  }
0x44: {  	_ =	shalt  }
0x45: {  	_ =	shalt  }
0x46: {  	_ =	shalt  }
0x47: {  	_ =	shalt  }
0x48: {  	_ =	shalt  }
0x49: {  	_ =	shalt  }
0x4a: {  	_ =	shalt  }
0x4b: {  	_ =	shalt  }
0x4c: {  	_ =	shalt  }
0x4d: {  	_ =	shalt  }
0x4e: {  	_ =	shalt  }
0x4f: {  	_ =	shalt  }
0x50: {  	_ =	shalt  }
0x51: {  	_ =	shalt  }
0x52: {  	_ =	shalt  }
0x53: {  	_ =	shalt  }
0x54: {  	_ =	shalt  }
0x55: {  	_ =	shalt  }
0x56: {  	_ =	shalt  }
0x57: {  	_ =	shalt  }
0x58: {  	_ =	shalt  }
0x59: {  	_ =	shalt  }
0x5a: {  	_ =	shalt  }
0x5b: {  	_ =	shalt  }
0x5c: {  	_ =	shalt  }
0x5d: {  	_ =	shalt  }
0x5e: {  	_ =	shalt  }
0x5f: {  	_ =	shalt  }
0x60: {  	_ =	shalt  }
0x61: {  	_ =	shalt  }
0x62: {  	_ =	shalt  }
0x63: {  	_ =	shalt  }
0x64: {  	_ =	shalt  }
0x65: {  	_ =	shalt  }
0x66: {  	_ =	shalt  }
0x67: {  	_ =	shalt  }
0x68: {  	_ =	shalt  }
0x69: {  	_ =	shalt  }
0x6a: {  	_ =	shalt  }
0x6b: {  	_ =	shalt  }
0x6c: {  	_ =	shalt  }
0x6d: {  	_ =	shalt  }
0x6e: {  	_ =	shalt  }
0x6f: {  	_ =	shalt  }
0x70: {  	_ =	shalt  }
0x71: {  	_ =	shalt  }
0x72: {  	_ =	shalt  }
0x73: {  	_ =	shalt  }
0x74: {  	_ =	shalt  }
0x75: {  	_ =	shalt  }
0x76: {  	_ =	shalt  }
0x77: {  	_ =	shalt  }
0x78: {  	_ =	shalt  }
0x79: {  	_ =	shalt  }
0x7a: {  	_ =	shalt  }
0x7b: {  	_ =	shalt  }
0x7c: {  	_ =	shalt  }
0x7d: {  	_ =	shalt  }
0x7e: {  	_ =	shalt  }
0x7f: {  	_ =	shalt  }
0x80: {  	_ =	shalt  }
0x81: {  	_ =	shalt  }
0x82: {  	_ =	shalt  }
0x83: {  	_ =	shalt  }
0x84: {  	_ =	shalt  }
0x85: {  	_ =	shalt  }
0x86: {  	_ =	shalt  }
0x87: {  	_ =	shalt  }
.Lfunc_end0:
.L_simem_size_0:
called_computation.2_lowered:
.L_overlay_start_0:
0x88: {  	s2 =	sld [smem:$0x3FD9]  }
0x89: {  	s3 =	sld [smem:$0x3FFE];
	_ =	sdelay $0x1  }
0x8a: {  	s1 =	srdreg.scid  }
0x8b: {  	s0 =	sand.u32 $0x1, s1  }
0x8c: {  	s16 =	sshll.u32 s0, $0xA;
	s2 =	sadd.s32 s3, s2  }
0x8d: {  	s2 =	sadd.s32 s2, s16  }
0x8e: {  	[smem:$0x3FBE] =	sst s2  }
0x8f: {  	_ = 	snop  }
0x90: {  	(tm) =	ssettm $0x1  }
0x91: {  	s17 =	sld [smem:$0x3FFB];
	_ =	sdelay $0x3  }
0x92: {  	_ =	strace s17  }
0x93: {  	s2 =	sld [smem:$0x3FFC];
	_ =	sdelay $0x3  }
0x94: {  	_ =	strace s2  }
0x95: {  	s2 =	sld [smem:$0x3FFD];
	_ =	sdelay $0x3  }
0x96: {  	_ =	strace s2  }
0x97: {  	_ =	strace $0x8FFFFFFF  }
0x98: {  	s18 =	sld [smem:$0x3FDB];
	_ =	sdelay $0x1  }
0x99: {  	s19 =	simm.s32 $_scs_section_size  }
0x9a: {  	s4 =	simm.s32 $_size__tile_overlayer_lowered;
	s5 =	simm.s32 $_tile_overlayer_lowered  }
0x9b: {  	s22 =	simm.s32 $0x1BFF;
	s21 =	sshll.u32 s5, $0x1;
	s2 =	sadd.s32 s19, s18  }
0x9c: {  	s6 =	simm.s32 $0x0;
	s20 =	sshll.u32 s4, $0x1;
	s4 =	sadd.s32 s21, s2  }
0x9d: {  	[timem:s6], [sflag:s22] =	dma.local [hbm:s4], s20  }
0x9e: {  	_ =	swait.ge [sflag:s22], s20  }
0x9f: {  	s3 =	ssub.s32 $0x0, s20;
	[sflag:s22] =	ssyncset.done $0x0  }
0xa0: {  	[sflag:s22] =	ssyncadd.s32 s3;
	_ =	sdelay $0x1  }
0xa1: {  	s23 =	simm.s32 $0x1B8B  }
0xa2: {  	_ =	swait.ge [sflag:s23], $0x1  }
0xa3: {  	[sflag:s23] =	ssyncset.done $0x0  }
0xa4: {  	s25 =	simm.s32 $0x1B8E;
	s24 =	sld [smem:$0x3FFE];
	[sflag:s23] =	ssyncadd.s32 $0xFFFFFFFF  }
0xa5: {  	s26 =	simm.s32 $execute0_lowered;
	[smem:$0x3FD2] =	sst s25  }
0xa6: {  	s4 =	sshll.u32 s26, $0x1;
	_ =	strace $0x8000004C;
	[dreg:$0x1] =	wrdreg $0xFFFFFFFF  }
0xa7: {  	s28 =	simm.s32 $_size_execute0_lowered;
	s2 =	sadd.s32 s2, s4;
	[dreg:$0x0] =	wrdreg $0x0  }
0xa8: {  	s4 =	sshll.u32 s28, $0x1;
	[dreg:$0x2] =	wrdreg s2  }
0xa9: {  	[dreg:$0x3] =	wrdreg s4  }
0xaa: {  	[dreg:$0x4] =	wrdreg $0xC0  }
0xab: {  	_ =	task [dreg:s6], $0x5FFFF  }
0xac: {  	[dreg:$0x1] =	wrdreg $0xFFFFFFFF  }
0xad: {  	[dreg:$0x0] =	wrdreg $0x60  }
0xae: {  	[dreg:$0x2] =	wrdreg s24  }
0xaf: {  	[dreg:$0x3] =	wrdreg $0x9  }
0xb0: {  	_ =	task.clear_ibuf [dreg:s6], $0x4FFFF;
	_ =	strace $0x9000004C  }
0xb1: {  	s29 =	simm.s32 $0x9;
	_ =	strace $0x8000004E  }
0xb2: {  	_ =	swait.ge [sflag:s29], $0x1  }
0xb3: {  	[sflag:s29] =	ssyncadd.s32 $0xFFFFFFFF  }
0xb4: {  	_ =	strace $0x9000004E  }
0xb5: {  	_ =	sfence  }
0xb6: {  	s30 =	sld [smem:$0x0];
	_ =	sdelay $0x2  }
0xb7: {  	s31 =	sshll.u32 s1, $0xD;
	s1 =	sshrl.u32 s1, $0x2  }
0xb8: {  	s3 =	sand.u32 $0x4000, s31;
	s1 =	sadd.s32 s1, s30  }
0xb9: {  	s0 =	sor.u32 s3, s0;
	s1 =	sshll.u32 s1, $0x11  }
0xba: {  	s0 =	sor.u32 s1, s0  }
0xbb: {  	s0 =	sadd.s32 $0x8F2B, s0  }
0xbc: {  	[sflag:s0] =	ssyncadd.remote.s32 $0x1  }
0xbd: {  	_ =	sfence.sel $0xFFFF  }
0xbe: {  	[dreg:$0x0] =	wrdreg $0xFFFFFFFF;
	(pc) =	sbr.abs _section_cstart, $3  }
0xbf: {  	[dreg:$0x1] =	wrdreg $0xFFFFFFFF  }
0xc0: {  	_ =	task.clear_ibuf [dreg:s6], $0x2FFFF;
	_ =	strace $0x9FFFFFFF  }
0xc1: {  	(tm) =	ssettm $0x7FFFFFFF  }
tec
execute0_lowered:
.L_overlay_start_1:
0x0: {  	(tag) =	ssettag $0x1  }
0x1: {  	s1 =	srdreg.scid  }
0x2: {  	s0 =	stileid.u32;
	s8 =	rddreg [dreg:$0x0];
	s2 =	simm.s32 $0x0  }
0x3: {  	s12 =	simm.s32 $0x2;
	s13 =	simm.s32 $0x80;
	s14 =	simm.s32 $0x880  }
0x4: {  	s15 =	simm.s32 $0x1080;
	s16 =	simm.s32 $0x1880;
	s17 =	simm.s32 $0x2080  }
0x5: {  	s18 =	simm.s32 $0x2880;
	s19 =	simm.s32 $0x3080;
	s20 =	simm.s32 $0x3880  }
0x6: {  	s21 =	simm.s32 $0x4080;
	s22 =	simm.s32 $0x4880;
	s23 =	simm.s32 $0x5080  }
0x7: {  	s24 =	simm.s32 $0x5880;
	s25 =	simm.s32 $0x6080;
	s26 =	simm.s32 $0x6880  }
0x8: {  	s28 =	simm.s32 $0x7080;
	s29 =	simm.s32 $0x7880;
	s30 =	simm.s32 $0x1  }
0x9: {  	s3 =	sand.u32 $0x1, s1;
	s4 =	sshll.u32 s0, $0x1;
	[smem:$0x7FF] =	sst s2  }
0xa: {  	s1 =	rddreg [dreg:$0x1];
	s4 =	sor.u32 s3, s4;
	_ =	strace $0x8000004D  }
0xb: {  	s31 =	ssub.s32 $0x2, s3;
	s3 =	sadd.s32 $0x4E200, s8;
	s5 =	sshll.u32 s4, $0x5  }
0xc: {  	s6 =	sshrl.u32 s31, $0x1;
	s7 =	sshll.u32 s4, $0xD;
	s9 =	sadd.s32 s5, s8  }
0xd: {  	v2 =	vlaneseq.u32;
	s11 =	ssub.s32 s31, s6;
	s5 =	sadd.s32 s8, s7;
	s6 =	sadd.s32 $0x4E300, s8  }
0xe: {  	vm0 =	vmmov $0xffff;
	v1 =	vshrl.u32 v2, $0x3;
	s7 =	sadd.s32 $0x4E400, s8;
	s8 =	sadd.s32 $0x4E500, s8;
	s4 =	sadd.s32 $0x40200, s9  }
0xf: {  	v0 =	vand.u32 $0x7, v2;
	v2 =	vor.u32 $0x8, v2;
	v1 =	vmul.u32 $0x8, v1;
	s9 =	sadd.s32 $0x40210, s9;
	s10 =	sadd.s32 $0x1000, s5;
	s11 =	smax.u32 s11, $0x1  }
.LBB2_1:
0x10: {  	[tilespmem:s2], [sflag:$0x2] =	stream.linear.gather [hbm4b:s4+s2], $0x80, $0x38;
	[tilespmem:$0x8080] =	vst v63  }
0x11: {  	_ =	swait.ge [sflag:s12], $0x80  }
0x12: {  	[sflag:s12] =	ssyncset.done $0x0  }
0x13: {  	[sflag:s12] =	ssyncadd.s32 $0xFFFFFF80  }
0x14: {  	[tilespmem:s13], [sflag:$0x2] =	stream.linear.gather [hbm4b:s5+s2], $0x8000, $0x38;
	[tilespmem:$0x8080] =	vst v63  }
0x15: {  	_ =	swait.ge [sflag:s12], $0x8000  }
0x16: {  	[sflag:s12] =	ssyncset.done $0x0  }
0x17: {  	[sflag:s12] =	ssyncadd.s32 $0xFFFF8000  }
0x18: {  	v3 =	vld [tilespmem:$0x0];
	_ =	sdelay $0x4  }
0x19: {  	v4 =	vshll.u32 v3, $0x3  }
0x1a: {  	v3 =	vand.u32 $0x7, v3;
	v4 =	vand.u32 $0xFFFFFFC0, v4  }
0x1b: {  	v3 =	vor.u32 v3, v4  }
0x1c: {  	v4 =	vperm.xlane v3, v0;
	_ =	sdelay $0x1  }
0x1d: {  	v4 =	vadd.s32 v1, v4;
	_ =	sdelay $0x4  }
0x1e: {  	[hbm4b:s3+s2] =	stream.indirect_vreg.scatter [tilespmem:s13], [sflag:$0x1], $0x80, v4, vm0, $0xb8;
	[tilespmem:$0x8080] =	vst v63  }
0x1f: {  	v3 =	vperm.xlane v3, v2  }
0x20: {  	[hbm4b:s6+s2] =	stream.indirect_vreg.scatter [tilespmem:s14], [sflag:$0x1], $0x80, v4, vm0, $0xb8;
	[tilespmem:$0x8080] =	vst v63  }
0x21: {  	v3 =	vadd.s32 v1, v3  }
0x22: {  	[hbm4b:s7+s2] =	stream.indirect_vreg.scatter [tilespmem:s15], [sflag:$0x1], $0x80, v4, vm0, $0xb8;
	[tilespmem:$0x8080] =	vst v63  }
0x23: {  	_ = 	snop  }
0x24: {  	[hbm4b:s8+s2] =	stream.indirect_vreg.scatter [tilespmem:s16], [sflag:$0x1], $0x80, v4, vm0, $0xb8;
	[tilespmem:$0x8080] =	vst v63  }
0x25: {  	_ = 	snop  }
0x26: {  	[hbm4b:s3+s2] =	stream.indirect_vreg.scatter [tilespmem:s17], [sflag:$0x1], $0x80, v3, vm0, $0xb8;
	[tilespmem:$0x8080] =	vst v63  }
0x27: {  	_ = 	snop  }
0x28: {  	[hbm4b:s6+s2] =	stream.indirect_vreg.scatter [tilespmem:s18], [sflag:$0x1], $0x80, v3, vm0, $0xb8;
	[tilespmem:$0x8080] =	vst v63  }
0x29: {  	_ = 	snop  }
0x2a: {  	[hbm4b:s7+s2] =	stream.indirect_vreg.scatter [tilespmem:s19], [sflag:$0x1], $0x80, v3, vm0, $0xb8;
	[tilespmem:$0x8080] =	vst v63  }
0x2b: {  	_ = 	snop  }
0x2c: {  	[hbm4b:s8+s2] =	stream.indirect_vreg.scatter [tilespmem:s20], [sflag:$0x1], $0x80, v3, vm0, $0xb8;
	[tilespmem:$0x8080] =	vst v63  }
0x2d: {  	v3 =	vld [tilespmem:$0x10];
	_ =	sdelay $0x4  }
0x2e: {  	v61 =	vshll.u32 v3, $0x3  }
0x2f: {  	v3 =	vand.u32 $0x7, v3;
	v4 =	vand.u32 $0xFFFFFFC0, v61  }
0x30: {  	v3 =	vor.u32 v3, v4  }
0x31: {  	v4 =	vperm.xlane v3, v0;
	_ =	sdelay $0x1  }
0x32: {  	v4 =	vadd.s32 v1, v4;
	_ =	sdelay $0x4  }
0x33: {  	[hbm4b:s3+s2] =	stream.indirect_vreg.scatter [tilespmem:s21], [sflag:$0x1], $0x80, v4, vm0, $0xb8;
	[tilespmem:$0x8080] =	vst v63  }
0x34: {  	v3 =	vperm.xlane v3, v2  }
0x35: {  	[hbm4b:s6+s2] =	stream.indirect_vreg.scatter [tilespmem:s22], [sflag:$0x1], $0x80, v4, vm0, $0xb8;
	[tilespmem:$0x8080] =	vst v63  }
0x36: {  	v3 =	vadd.s32 v1, v3  }
0x37: {  	[hbm4b:s7+s2] =	stream.indirect_vreg.scatter [tilespmem:s23], [sflag:$0x1], $0x80, v4, vm0, $0xb8;
	[tilespmem:$0x8080] =	vst v63  }
0x38: {  	_ = 	snop  }
0x39: {  	[hbm4b:s8+s2] =	stream.indirect_vreg.scatter [tilespmem:s24], [sflag:$0x1], $0x80, v4, vm0, $0xb8;
	[tilespmem:$0x8080] =	vst v63  }
0x3a: {  	_ = 	snop  }
0x3b: {  	[hbm4b:s3+s2] =	stream.indirect_vreg.scatter [tilespmem:s25], [sflag:$0x1], $0x80, v3, vm0, $0xb8;
	[tilespmem:$0x8080] =	vst v63  }
0x3c: {  	_ = 	snop  }
0x3d: {  	[hbm4b:s6+s2] =	stream.indirect_vreg.scatter [tilespmem:s26], [sflag:$0x1], $0x80, v3, vm0, $0xb8;
	[tilespmem:$0x8080] =	vst v63  }
0x3e: {  	_ = 	snop  }
0x3f: {  	[hbm4b:s7+s2] =	stream.indirect_vreg.scatter [tilespmem:s28], [sflag:$0x1], $0x80, v3, vm0, $0xb8;
	[tilespmem:$0x8080] =	vst v63  }
0x40: {  	_ = 	snop  }
0x41: {  	[hbm4b:s8+s2] =	stream.indirect_vreg.scatter [tilespmem:s29], [sflag:$0x1], $0x80, v3, vm0, $0xb8;
	[tilespmem:$0x8080] =	vst v63  }
0x42: {  	_ =	swait.ge [sflag:s30], $0x8000  }
0x43: {  	[sflag:s30] =	ssyncset.done $0x0  }
0x44: {  	[sflag:s30] =	ssyncadd.s32 $0xFFFF8000  }
0x45: {  	[tilespmem:s2], [sflag:$0x2] =	stream.linear.gather [hbm4b:s9+s2], $0x80, $0x38;
	[tilespmem:$0x8080] =	vst v63  }
0x46: {  	_ =	swait.ge [sflag:s12], $0x80  }
0x47: {  	[sflag:s12] =	ssyncset.done $0x0  }
0x48: {  	[sflag:s12] =	ssyncadd.s32 $0xFFFFFF80  }
0x49: {  	[tilespmem:s13], [sflag:$0x2] =	stream.linear.gather [hbm4b:s10+s2], $0x8000, $0x38;
	[tilespmem:$0x8080] =	vst v63  }
0x4a: {  	_ =	swait.ge [sflag:s12], $0x8000  }
0x4b: {  	[sflag:s12] =	ssyncset.done $0x0  }
0x4c: {  	[sflag:s12] =	ssyncadd.s32 $0xFFFF8000  }
0x4d: {  	v3 =	vld [tilespmem:$0x0];
	_ =	sdelay $0x4  }
0x4e: {  	v62 =	vshll.u32 v3, $0x3  }
0x4f: {  	v3 =	vand.u32 $0x7, v3;
	v4 =	vand.u32 $0xFFFFFFC0, v62  }
0x50: {  	v3 =	vor.u32 v3, v4  }
0x51: {  	v4 =	vperm.xlane v3, v0;
	_ =	sdelay $0x1  }
0x52: {  	v4 =	vadd.s32 v1, v4;
	_ =	sdelay $0x4  }
0x53: {  	[hbm4b:s3+s2] =	stream.indirect_vreg.scatter [tilespmem:s13], [sflag:$0x1], $0x80, v4, vm0, $0xb8;
	[tilespmem:$0x8080] =	vst v63  }
0x54: {  	v3 =	vperm.xlane v3, v2  }
0x55: {  	[hbm4b:s6+s2] =	stream.indirect_vreg.scatter [tilespmem:s14], [sflag:$0x1], $0x80, v4, vm0, $0xb8;
	[tilespmem:$0x8080] =	vst v63  }
0x56: {  	v3 =	vadd.s32 v1, v3  }
0x57: {  	[hbm4b:s7+s2] =	stream.indirect_vreg.scatter [tilespmem:s15], [sflag:$0x1], $0x80, v4, vm0, $0xb8;
	[tilespmem:$0x8080] =	vst v63  }
0x58: {  	_ = 	snop  }
0x59: {  	[hbm4b:s8+s2] =	stream.indirect_vreg.scatter [tilespmem:s16], [sflag:$0x1], $0x80, v4, vm0, $0xb8;
	[tilespmem:$0x8080] =	vst v63  }
0x5a: {  	_ = 	snop  }
0x5b: {  	[hbm4b:s3+s2] =	stream.indirect_vreg.scatter [tilespmem:s17], [sflag:$0x1], $0x80, v3, vm0, $0xb8;
	[tilespmem:$0x8080] =	vst v63  }
0x5c: {  	_ = 	snop  }
0x5d: {  	[hbm4b:s6+s2] =	stream.indirect_vreg.scatter [tilespmem:s18], [sflag:$0x1], $0x80, v3, vm0, $0xb8;
	[tilespmem:$0x8080] =	vst v63  }
0x5e: {  	_ = 	snop  }
0x5f: {  	[hbm4b:s7+s2] =	stream.indirect_vreg.scatter [tilespmem:s19], [sflag:$0x1], $0x80, v3, vm0, $0xb8;
	[tilespmem:$0x8080] =	vst v63  }
0x60: {  	_ = 	snop  }
0x61: {  	[hbm4b:s8+s2] =	stream.indirect_vreg.scatter [tilespmem:s20], [sflag:$0x1], $0x80, v3, vm0, $0xb8;
	[tilespmem:$0x8080] =	vst v63  }
0x62: {  	v3 =	vld [tilespmem:$0x10];
	_ =	sdelay $0x4  }
0x63: {  	v63 =	vshll.u32 v3, $0x3  }
0x64: {  	v3 =	vand.u32 $0x7, v3;
	v4 =	vand.u32 $0xFFFFFFC0, v63  }
0x65: {  	v3 =	vor.u32 v3, v4  }
0x66: {  	v4 =	vperm.xlane v3, v0;
	_ =	sdelay $0x1  }
0x67: {  	v4 =	vadd.s32 v1, v4;
	_ =	sdelay $0x4  }
0x68: {  	[hbm4b:s3+s2] =	stream.indirect_vreg.scatter [tilespmem:s21], [sflag:$0x1], $0x80, v4, vm0, $0xb8;
	[tilespmem:$0x8080] =	vst v63  }
0x69: {  	v3 =	vperm.xlane v3, v2  }
0x6a: {  	[hbm4b:s6+s2] =	stream.indirect_vreg.scatter [tilespmem:s22], [sflag:$0x1], $0x80, v4, vm0, $0xb8;
	[tilespmem:$0x8080] =	vst v63  }
0x6b: {  	v3 =	vadd.s32 v1, v3  }
0x6c: {  	[hbm4b:s7+s2] =	stream.indirect_vreg.scatter [tilespmem:s23], [sflag:$0x1], $0x80, v4, vm0, $0xb8;
	[tilespmem:$0x8080] =	vst v63  }
0x6d: {  	_ = 	snop  }
0x6e: {  	[hbm4b:s8+s2] =	stream.indirect_vreg.scatter [tilespmem:s24], [sflag:$0x1], $0x80, v4, vm0, $0xb8;
	[tilespmem:$0x8080] =	vst v63  }
0x6f: {  	_ = 	snop  }
0x70: {  	[hbm4b:s3+s2] =	stream.indirect_vreg.scatter [tilespmem:s25], [sflag:$0x1], $0x80, v3, vm0, $0xb8;
	[tilespmem:$0x8080] =	vst v63  }
0x71: {  	_ = 	snop  }
0x72: {  	[hbm4b:s6+s2] =	stream.indirect_vreg.scatter [tilespmem:s26], [sflag:$0x1], $0x80, v3, vm0, $0xb8;
	[tilespmem:$0x8080] =	vst v63  }
0x73: {  	p0 =	sne.s32 s11, $0x1  }
0x74: {  	[hbm4b:s7+s2] =	stream.indirect_vreg.scatter [tilespmem:s28], [sflag:$0x1], $0x80, v3, vm0, $0xb8;
	[tilespmem:$0x8080] =	vst v63  }
.Ltmp0:
0x75: {  	_ = 	snop;
	(pc) =	sbr.rel @p0 .LBB2_1-.Ltmp0, $4  }
0x76: {  	[hbm4b:s8+s2] =	stream.indirect_vreg.scatter [tilespmem:s29], [sflag:$0x1], $0x80, v3, vm0, $0xb8;
	[tilespmem:$0x8080] =	vst v63  }
0x77: {  	_ =	swait.ge [sflag:s30], $0x8000  }
0x78: {  	[sflag:s30] =	ssyncset.done $0x0  }
0x79: {  	s11 =	sadd.s32 $0xFFFFFFFF, s11;
	[sflag:s30] =	ssyncadd.s32 $0xFFFF8000  }
0x7a: {  	_ =	sfence.sel $0x180000  }
0x7b: {  	[bflag:$0x0] =	sbarrier.arrive $0xFFFF  }
0x7c: {  	p0 =	sne.s32 s0, $0x0;
	_ =	strace $0x9000004D  }
0x7d: {  	s0 =	sadd.s32 @!p0 $0x100000, s1;
	[bflag:$0x2] =	sbarrier.arrive $0xFFFF  }
0x7e: {  	[sflag:s0] =	ssyncadd.tile.s32 @!p0 $0x1;
	_ =	shalt  }
.Lfunc_end2:
_tile_overlayer_lowered:
.L_overlay_start_2:
0x7f: {  	(tag) =	ssettag $0x2  }
0x80: {  	s0 =	rddreg [dreg:$0x0];
	s2 =	stileid.u32  }
0x81: {  	s1 =	rddreg [dreg:$0x1];
	p0 =	sne.s32 s2, $0x0  }
0x82: {  	s3 =	rddreg [dreg:$0x2];
	[bflag:$0x3] =	sbarrier.arrive $0xFFFF;
	s2 =	simm.s32 @!p0 $0x1C02  }
0x83: {  	[timem:s3], [sflag:s2] =	dma.local @!p0 [hbm:s0], s1  }
0x84: {  	s0 =	simm.s32 @!p0 $0x2  }
0x85: {  	_ =	swait.ge @!p0 [sflag:s0], s1  }
0x86: {  	s1 =	ssub.s32 @!p0 $0x0, s1;
	[sflag:s0] =	ssyncset.done @!p0 $0x0  }
0x87: {  	[sflag:s0] =	ssyncadd.s32 @!p0 s1  }
0x88: {  	[bflag:$0x3] =	sbarrier.arrive $0xFFFF  }
0x89: {  	_ =	shalt  }

// kernel: scatter_offload_async_start
scs
__scs_entry_jumppad:
0x0: {  	(pc) =	sbr.rel $0x88, $3  }
0x1: {  	(tag) =	ssettag $0x0;
	lr =	simm.s32 $0x1  }
0x2: {  	[smem:$0x3F97] =	sst lr;
	_ =	strace $0xD0000000  }
0x3: {  	_ = 	snop  }
0x4: {  	_ = 	snop  }
0x5: {  	_ = 	snop  }
0x6: {  	_ = 	snop  }
0x7: {  	_ = 	snop  }
__scs_overlays_trampoline_lowered:
0x8: {  	[smem:$0x3FA6] =	sst s0  }
0x9: {  	[smem:$0x3FA7] =	sst s1  }
0xa: {  	[smem:$0x3FA8] =	sst s2  }
0xb: {  	[smem:$0x3FA9] =	sst s3  }
0xc: {  	[smem:$0x3FAA] =	sst s4  }
0xd: {  	[smem:$0x3FAB] =	sst s5  }
0xe: {  	[smem:$0x3FAC] =	sst s6  }
0xf: {  	[smem:$0x3FAD] =	sst s7  }
0x10: {  	[smem:$0x3FAE] =	sst s8  }
0x11: {  	[smem:$0x3FAF] =	sst s9;
	s0 =	simm.s32 @!p0 $0x0  }
0x12: {  	s1 =	sld [smem:$0x3F95];
	s0 =	simm.s32 @p0 $0x1  }
0x13: {  	[smem:$0x3FB0] =	sst s0;
	s0 =	simm.s32 @!p1 $0x0  }
0x14: {  	s2 =	sld [smem:$0x3F94];
	s0 =	simm.s32 @p1 $0x1  }
0x15: {  	[smem:$0x3FB1] =	sst s0;
	s0 =	simm.s32 @!p2 $0x0  }
0x16: {  	s3 =	sld [smem:$0x3FDB];
	s0 =	simm.s32 @p2 $0x1  }
0x17: {  	s4 =	simm.s32 $0x1BF5;
	[smem:$0x3FB3] =	sst s0  }
0x18: {  	s0 =	sld [smem:$0x3F96];
	_ =	swait.ge [sflag:s4], $0x0  }
0x19: {  	s7 =	sld [smem:$0x3F97]  }
0x1a: {  	s8 =	sadd.s32 $0xFFFFE003, lr  }
0x1b: {  	s9 =	sadd.s32 $0xFFFFFEF7, lr;
	s5 =	simm.s32 $0xFFFFFFFF;
	p2 =	slt.u32 s8, $0xFFFFF086  }
0x1c: {  	p1 =	slt.u32 s9, $0xF7A;
	s5 =	simm.s32 @!p2 $0x0  }
0x1d: {  	s5 =	simm.s32 @p1 $0x1;
	p0 =	seq.s32 s7, s2  }
0x1e: {  	s7 =	smul.u32 @!p0 $0xF7A, s2;
	p2 =	seq.s32 @!p0 s5, $0x0  }
0x1f: {  	s9 =	smul.u32 $0xF7A, s1;
	s8 =	simm.s32 @!p0 $0x1BF5;
	p2 =	por !p2, p0  }
0x20: {  	[sflag:s8] =	ssyncset.s32 @!p0 $0xFFFFF086;
	s6 =	sadd.s32 @!p0 s3, s7;
	s7 =	simm.s32 @!p0 $0x108  }
0x21: {  	s3 =	sadd.s32 s3, s9;
	s6 =	sadd.s32 @!p0 $0x88, s6;
	s7 =	simm.s32 @p2 $0x1082  }
0x22: {  	[simem:s7], [sflag:s8] =	dma.local @!p0 [hbm:s6], $0xF7A  }
0x23: {  	s9 =	sor.u32 $0xD0000000, s2;
	s6 =	simm.s32 $0x108;
	_ =	swait.ge @!p0 [sflag:s8], $0x0  }
0x24: {  	s3 =	sadd.s32 $0x88, s3;
	s6 =	simm.s32 @!p1 $0x1082;
	[sflag:s4] =	ssyncset.s32 $0xFFFFF086  }
0x25: {  	[simem:s6], [sflag:s4] =	dma.local [hbm:s3], $0xF7A  }
0x26: {  	[smem:$0x3F97] =	sst s1;
	(tag) =	ssettag s2;
	_ =	strace s9  }
0x27: {  	s1 =	sld [smem:$0x3FA7]  }
0x28: {  	s2 =	sld [smem:$0x3FA8]  }
0x29: {  	s4 =	sld [smem:$0x3FAA]  }
0x2a: {  	p0 =	seq.s32 s5, $0x0;
	s5 =	sld [smem:$0x3FAB]  }
0x2b: {  	s6 =	sld [smem:$0x3FAC]  }
0x2c: {  	s7 =	sld [smem:$0x3FAD]  }
0x2d: {  	s3 =	simm.s32 $0x108;
	s8 =	sld [smem:$0x3FAE]  }
0x2e: {  	s3 =	simm.s32 @!p0 $0x1082;
	s9 =	sld [smem:$0x3FAF]  }
0x2f: {  	lr =	sadd.s32 s0, s3;
	s0 =	sld [smem:$0x3FA6]  }
0x30: {  	s3 =	sld [smem:$0x3FA9]  }
0x31: {  	[smem:$0x3FB2] =	sst s10  }
0x32: {  	s10 =	sld [smem:$0x3FB0];
	_ =	sdelay $0x3  }
0x33: {  	p0 =	seq.s32 s10, $0x1;
	s10 =	sld [smem:$0x3FB2];
	_ =	sdelay $0x3  }
0x34: {  	[smem:$0x3FB2] =	sst s10  }
0x35: {  	s10 =	sld [smem:$0x3FB1];
	_ =	sdelay $0x3  }
0x36: {  	p1 =	seq.s32 s10, $0x1;
	s10 =	sld [smem:$0x3FB2];
	_ =	sdelay $0x3  }
0x37: {  	[smem:$0x3FB2] =	sst s10  }
0x38: {  	s10 =	sld [smem:$0x3FB3]  }
0x39: {  	_ = 	snop;
	(pc) =	sbr.ind lr, $3  }
0x3a: {  	_ = 	snop  }
0x3b: {  	_ = 	snop  }
0x3c: {  	p2 =	seq.s32 s10, $0x1;
	s10 =	sld [smem:$0x3FB2]  }
0x3d: {  	_ =	shalt  }
0x3e: {  	_ =	shalt  }
0x3f: {  	_ =	shalt  }
0x40: {  	_ =	shalt  }
0x41: {  	_ =	shalt  }
0x42: {  	_ =	shalt  }
0x43: {  	_ =	shalt  }
0x44: {  	_ =	shalt  }
0x45: {  	_ =	shalt  }
0x46: {  	_ =	shalt  }
0x47: {  	_ =	shalt  }
0x48: {  	_ =	shalt  }
0x49: {  	_ =	shalt  }
0x4a: {  	_ =	shalt  }
0x4b: {  	_ =	shalt  }
0x4c: {  	_ =	shalt  }
0x4d: {  	_ =	shalt  }
0x4e: {  	_ =	shalt  }
0x4f: {  	_ =	shalt  }
0x50: {  	_ =	shalt  }
0x51: {  	_ =	shalt  }
0x52: {  	_ =	shalt  }
0x53: {  	_ =	shalt  }
0x54: {  	_ =	shalt  }
0x55: {  	_ =	shalt  }
0x56: {  	_ =	shalt  }
0x57: {  	_ =	shalt  }
0x58: {  	_ =	shalt  }
0x59: {  	_ =	shalt  }
0x5a: {  	_ =	shalt  }
0x5b: {  	_ =	shalt  }
0x5c: {  	_ =	shalt  }
0x5d: {  	_ =	shalt  }
0x5e: {  	_ =	shalt  }
0x5f: {  	_ =	shalt  }
0x60: {  	_ =	shalt  }
0x61: {  	_ =	shalt  }
0x62: {  	_ =	shalt  }
0x63: {  	_ =	shalt  }
0x64: {  	_ =	shalt  }
0x65: {  	_ =	shalt  }
0x66: {  	_ =	shalt  }
0x67: {  	_ =	shalt  }
0x68: {  	_ =	shalt  }
0x69: {  	_ =	shalt  }
0x6a: {  	_ =	shalt  }
0x6b: {  	_ =	shalt  }
0x6c: {  	_ =	shalt  }
0x6d: {  	_ =	shalt  }
0x6e: {  	_ =	shalt  }
0x6f: {  	_ =	shalt  }
0x70: {  	_ =	shalt  }
0x71: {  	_ =	shalt  }
0x72: {  	_ =	shalt  }
0x73: {  	_ =	shalt  }
0x74: {  	_ =	shalt  }
0x75: {  	_ =	shalt  }
0x76: {  	_ =	shalt  }
0x77: {  	_ =	shalt  }
0x78: {  	_ =	shalt  }
0x79: {  	_ =	shalt  }
0x7a: {  	_ =	shalt  }
0x7b: {  	_ =	shalt  }
0x7c: {  	_ =	shalt  }
0x7d: {  	_ =	shalt  }
0x7e: {  	_ =	shalt  }
0x7f: {  	_ =	shalt  }
0x80: {  	_ =	shalt  }
0x81: {  	_ =	shalt  }
0x82: {  	_ =	shalt  }
0x83: {  	_ =	shalt  }
0x84: {  	_ =	shalt  }
0x85: {  	_ =	shalt  }
0x86: {  	_ =	shalt  }
0x87: {  	_ =	shalt  }
.Lfunc_end0:
.L_simem_size_0:
called_computation_lowered:
.L_overlay_start_0:
0x88: {  	s0 =	sld [smem:$0x3FD9]  }
0x89: {  	s1 =	sld [smem:$0x3FFE];
	_ =	sdelay $0x3  }
0x8a: {  	s0 =	sadd.s32 s1, s0  }
0x8b: {  	[smem:$0x3FBE] =	sst s0  }
0x8c: {  	_ = 	snop  }
0x8d: {  	(tm) =	ssettm $0x1  }
0x8e: {  	s15 =	sld [smem:$0x3FFB];
	_ =	sdelay $0x3  }
0x8f: {  	_ =	strace s15  }
0x90: {  	s0 =	sld [smem:$0x3FFC];
	_ =	sdelay $0x3  }
0x91: {  	_ =	strace s0  }
0x92: {  	s0 =	sld [smem:$0x3FFD];
	_ =	sdelay $0x3  }
0x93: {  	_ =	strace s0  }
0x94: {  	_ =	strace $0x8FFFFFFF  }
0x95: {  	s16 =	sld [smem:$0x3FDB];
	_ =	sdelay $0x1  }
0x96: {  	s17 =	simm.s32 $_scs_section_size  }
0x97: {  	s2 =	simm.s32 $_size__tile_overlayer_lowered;
	s3 =	simm.s32 $_tile_overlayer_lowered  }
0x98: {  	s20 =	simm.s32 $0x1BFF;
	s19 =	sshll.u32 s3, $0x1;
	s0 =	sadd.s32 s17, s16  }
0x99: {  	s4 =	simm.s32 $0x0;
	s18 =	sshll.u32 s2, $0x1;
	s2 =	sadd.s32 s19, s0  }
0x9a: {  	[timem:s4], [sflag:s20] =	dma.local [hbm:s2], s18  }
0x9b: {  	_ =	swait.ge [sflag:s20], s18  }
0x9c: {  	s1 =	ssub.s32 $0x0, s18;
	[sflag:s20] =	ssyncset.done $0x0  }
0x9d: {  	[sflag:s20] =	ssyncadd.s32 s1;
	_ =	sdelay $0x1  }
0x9e: {  	s21 =	simm.s32 $0x1B8B  }
0x9f: {  	_ =	swait.ge [sflag:s21], $0x1  }
0xa0: {  	[sflag:s21] =	ssyncset.done $0x0  }
0xa1: {  	s23 =	simm.s32 $0x1B8E;
	s22 =	sld [smem:$0x3FFE];
	[sflag:s21] =	ssyncadd.s32 $0xFFFFFFFF  }
0xa2: {  	s24 =	simm.s32 $execute0_lowered;
	[smem:$0x3FD2] =	sst s23  }
0xa3: {  	s2 =	sshll.u32 s24, $0x1;
	_ =	strace $0x80000046;
	[dreg:$0x1] =	wrdreg $0xFFFFFFFF  }
0xa4: {  	s25 =	simm.s32 $_size_execute0_lowered;
	s0 =	sadd.s32 s0, s2;
	[dreg:$0x0] =	wrdreg $0x0  }
0xa5: {  	s2 =	sshll.u32 s25, $0x1;
	[dreg:$0x2] =	wrdreg s0  }
0xa6: {  	[dreg:$0x3] =	wrdreg s2  }
0xa7: {  	[dreg:$0x4] =	wrdreg $0xC0  }
0xa8: {  	_ =	task [dreg:s4], $0x5FFFF  }
0xa9: {  	[dreg:$0x1] =	wrdreg $0xFFFFFFFF  }
0xaa: {  	[dreg:$0x0] =	wrdreg $0x60  }
0xab: {  	[dreg:$0x2] =	wrdreg s22  }
0xac: {  	[dreg:$0x3] =	wrdreg $0x9  }
0xad: {  	_ =	task.clear_ibuf [dreg:s4], $0x4FFFF;
	_ =	strace $0x90000046  }
0xae: {  	s26 =	simm.s32 $0x9;
	_ =	strace $0x80000048  }
0xaf: {  	_ =	swait.ge [sflag:s26], $0x1  }
0xb0: {  	[sflag:s26] =	ssyncadd.s32 $0xFFFFFFFF  }
0xb1: {  	_ =	strace $0x90000048  }
0xb2: {  	_ =	sfence  }
0xb3: {  	s28 =	sld [smem:$0x0];
	_ =	sdelay $0x1  }
0xb4: {  	s29 =	srdreg.scid  }
0xb5: {  	s30 =	sshll.u32 s29, $0xD;
	s31 =	sshrl.u32 s29, $0x2  }
0xb6: {  	s1 =	sand.u32 $0x1, s29;
	s2 =	sand.u32 $0x4000, s30;
	s0 =	sadd.s32 s31, s28  }
0xb7: {  	s1 =	sor.u32 s2, s1;
	s0 =	sshll.u32 s0, $0x11  }
0xb8: {  	s0 =	sor.u32 s0, s1  }
0xb9: {  	s0 =	sadd.s32 $0x8F2B, s0  }
0xba: {  	[sflag:s0] =	ssyncadd.remote.s32 $0x1  }
0xbb: {  	_ =	sfence.sel $0xFFFF  }
0xbc: {  	[dreg:$0x0] =	wrdreg $0xFFFFFFFF;
	(pc) =	sbr.abs _section_cstart, $3  }
0xbd: {  	[dreg:$0x1] =	wrdreg $0xFFFFFFFF  }
0xbe: {  	_ =	task.clear_ibuf [dreg:s4], $0x2FFFF;
	_ =	strace $0x9FFFFFFF  }
0xbf: {  	(tm) =	ssettm $0x7FFFFFFF  }
tec
execute0_lowered:
.L_overlay_start_1:
0x0: {  	(tag) =	ssettag $0x1  }
0x1: {  	s4 =	rddreg [dreg:$0x0]  }
0x2: {  	s0 =	rddreg [dreg:$0x1];
	_ =	strace $0x80000047;
	s5 =	stileid.u32  }
0x3: {  	s3 =	simm.s32 $0x3E;
	s1 =	sadd.s32 $0x40400, s4;
	p0 =	sne.s32 s5, $0x0  }
0x4: {  	[sflag:s3] =	ssyncpa.u1 $0x0;
	s6 =	simm.s32 @!p0 $0x1C3E;
	s2 =	simm.s32 @!p0 $0x0  }
0x5: {  	[spmem:s2], [sflag:s6] =	dma.local @!p0 [hbm:s1], $0x10  }
0x6: {  	s6 =	simm.s32 @!p0 $0x3E  }
0x7: {  	_ =	swait.ge @!p0 [sflag:s6], $0x10  }
0x8: {  	[sflag:s6] =	ssyncset.done @!p0 $0x0  }
0x9: {  	s13 =	simm.s32 $0x1;
	[sflag:s6] =	ssyncadd.s32 @!p0 $0xFFFFFFF0  }
0xa: {  	s7 =	simm.s32 $0x2;
	s8 =	simm.s32 $0x0;
	[bflag:$0x0] =	sbarrier.arrive $0xFFFF  }
0xb: {  	s9 =	simm.s32 $0x88;
	s14 =	sadd.s32 $0x40000, s4;
	[sflag:s3] =	ssyncpa.u1 $0x1  }
0xc: {  	s4 =	sadd.s32 $0x40600, s4;
	s5 =	sshll.u32 s5, $0x4;
	[sflag:s13] =	ssyncpa.u1 $0x0  }
0xd: {  	s6 =	sadd.s32 s14, s5;
	(ifvalue) =	ssetifvalue $0x80;
	[sflag:s7] =	ssyncpa.u1 $0x0  }
0xe: {  	[tilespmem:s9], [sflag:$0x2] =	stream.linear.gather [hbm4b:s6+s8], $0x80, $0x38;
	[tilespmem:$0x208] =	vst v63  }
0xf: {  	s15 =	simm.s32 $0x188;
	s4 =	sadd.s32 s4, s5  }
0x10: {  	[tilespmem:s15], [sflag:$0x2] =	stream.linear.gather [hbm4b:s4+s8], $0x80, $0x38;
	[tilespmem:$0x208] =	vst v63  }
0x11: {  	_ =	swait.ge [sflag:s7], $0x100  }
0x12: {  	[sflag:s7] =	ssyncset.done $0x0  }
0x13: {  	[sflag:s7] =	ssyncadd.s32 $0xFFFFFF00  }
0x14: {  	v0 =	vld.msk [tilespmem:s9+$0x0 ss:$0x1], $0xffff;
	_ =	sdelay $0x4  }
0x15: {  	v0 =	vmin.u32 v0, $0x80;
	_ =	sdelay $0x3  }
0x16: {  	vm0 =	vmmov $0xffff;
	s16 =	simm.s32 $0x98  }
0x17: {  	[spmem:s8] =	stream.indirect_vreg.scatter.add.s32 [tilespmem:s15], [sflag:$0x1], $0x1, v0, vm0, $0x4038;
	[tilespmem:$0x208] =	vst v63  }
0x18: {  	v0 =	vld.msk [tilespmem:s16+$0x0 ss:$0x1], $0xffff;
	_ =	sdelay $0x4  }
0x19: {  	v0 =	vmin.u32 v0, $0x80;
	_ =	sdelay $0x3  }
0x1a: {  	s17 =	simm.s32 $0x198;
	s18 =	simm.s32 $0xA8  }
0x1b: {  	[spmem:s8] =	stream.indirect_vreg.scatter.add.s32 [tilespmem:s17], [sflag:$0x1], $0x1, v0, vm0, $0x4038;
	[tilespmem:$0x208] =	vst v63  }
0x1c: {  	v0 =	vld.msk [tilespmem:s18+$0x0 ss:$0x1], $0xffff;
	_ =	sdelay $0x4  }
0x1d: {  	v0 =	vmin.u32 v0, $0x80;
	_ =	sdelay $0x3  }
0x1e: {  	s19 =	simm.s32 $0x1A8;
	s20 =	simm.s32 $0xB8  }
0x1f: {  	[spmem:s8] =	stream.indirect_vreg.scatter.add.s32 [tilespmem:s19], [sflag:$0x1], $0x1, v0, vm0, $0x4038;
	[tilespmem:$0x208] =	vst v63  }
0x20: {  	v0 =	vld.msk [tilespmem:s20+$0x0 ss:$0x1], $0xffff;
	_ =	sdelay $0x4  }
0x21: {  	v0 =	vmin.u32 v0, $0x80;
	_ =	sdelay $0x3  }
0x22: {  	s21 =	simm.s32 $0x1B8;
	s22 =	simm.s32 $0xC8  }
0x23: {  	[spmem:s8] =	stream.indirect_vreg.scatter.add.s32 [tilespmem:s21], [sflag:$0x1], $0x1, v0, vm0, $0x4038;
	[tilespmem:$0x208] =	vst v63  }
0x24: {  	v0 =	vld.msk [tilespmem:s22+$0x0 ss:$0x1], $0xffff;
	_ =	sdelay $0x4  }
0x25: {  	v0 =	vmin.u32 v0, $0x80;
	_ =	sdelay $0x3  }
0x26: {  	s23 =	simm.s32 $0x1C8;
	s24 =	simm.s32 $0xD8  }
0x27: {  	[spmem:s8] =	stream.indirect_vreg.scatter.add.s32 [tilespmem:s23], [sflag:$0x1], $0x1, v0, vm0, $0x4038;
	[tilespmem:$0x208] =	vst v63  }
0x28: {  	v0 =	vld.msk [tilespmem:s24+$0x0 ss:$0x1], $0xffff;
	_ =	sdelay $0x4  }
0x29: {  	v0 =	vmin.u32 v0, $0x80;
	_ =	sdelay $0x3  }
0x2a: {  	s25 =	simm.s32 $0x1D8;
	s26 =	simm.s32 $0xE8  }
0x2b: {  	[spmem:s8] =	stream.indirect_vreg.scatter.add.s32 [tilespmem:s25], [sflag:$0x1], $0x1, v0, vm0, $0x4038;
	[tilespmem:$0x208] =	vst v63  }
0x2c: {  	v0 =	vld.msk [tilespmem:s26+$0x0 ss:$0x1], $0xffff;
	_ =	sdelay $0x4  }
0x2d: {  	v0 =	vmin.u32 v0, $0x80;
	_ =	sdelay $0x3  }
0x2e: {  	s28 =	simm.s32 $0x1E8;
	s29 =	simm.s32 $0xF8  }
0x2f: {  	[spmem:s8] =	stream.indirect_vreg.scatter.add.s32 [tilespmem:s28], [sflag:$0x1], $0x1, v0, vm0, $0x4038;
	[tilespmem:$0x208] =	vst v63  }
0x30: {  	v0 =	vld.msk [tilespmem:s29+$0x0 ss:$0x1], $0xffff;
	_ =	sdelay $0x4  }
0x31: {  	v0 =	vmin.u32 v0, $0x80;
	_ =	sdelay $0x3  }
0x32: {  	s30 =	simm.s32 $0x1F8  }
0x33: {  	[spmem:s8] =	stream.indirect_vreg.scatter.add.s32 [tilespmem:s30], [sflag:$0x1], $0x1, v0, vm0, $0x4038;
	[tilespmem:$0x208] =	vst v63  }
0x34: {  	_ =	swait.ge [sflag:s13], $0x80  }
0x35: {  	[sflag:s13] =	ssyncset.done $0x0  }
0x36: {  	[sflag:s13] =	ssyncadd.s32 $0xFFFFFF80  }
0x37: {  	_ =	sfence.sel $0x180000  }
0x38: {  	[bflag:$0x0] =	sbarrier.arrive $0xFFFF  }
0x39: {  	[sflag:s7] =	ssyncpa.u1 $0x1  }
0x3a: {  	[sflag:s13] =	ssyncpa.u1 $0x1  }
0x3b: {  	_ =	sfence.stream.spmem  }
0x3c: {  	s31 =	simm.s32 $0x3D;
	[bflag:$0x0] =	sbarrier.arrive $0xFFFF  }
0x3d: {  	s3 =	simm.s32 @p0 $0x3D;
	[sflag:s31] =	ssyncpa.u1 $0x0  }
0x3e: {  	[sflag:s3] =	ssyncpa.u1 @p0 $0x1  }
0x3f: {  	[bflag:$0x0] =	sbarrier.arrive @p0 $0xFFFF  }
0x40: {  	_ =	strace @p0 $0x90000047  }
0x41: {  	s3 =	simm.s32 @!p0 $0x1C3D;
	[bflag:$0x2] =	sbarrier.arrive @p0 $0xFFFF  }
0x42: {  	[hbm:s1], [sflag:s3] =	dma.local @!p0 [spmem:s2], $0x10  }
0x43: {  	s1 =	simm.s32 @!p0 $0x3D  }
0x44: {  	_ =	swait.ge @!p0 [sflag:s1], $0x10  }
0x45: {  	[sflag:s1] =	ssyncset.done @!p0 $0x0  }
0x46: {  	[sflag:s1] =	ssyncadd.s32 @!p0 $0xFFFFFFF0  }
0x47: {  	[sflag:s1] =	ssyncpa.u1 @!p0 $0x1  }
0x48: {  	[bflag:$0x0] =	sbarrier.arrive @!p0 $0xFFFF  }
0x49: {  	_ =	strace @!p0 $0x90000047  }
0x4a: {  	s0 =	sadd.s32 @!p0 $0x100000, s0;
	[bflag:$0x2] =	sbarrier.arrive @!p0 $0xFFFF  }
0x4b: {  	[sflag:s0] =	ssyncadd.tile.s32 @!p0 $0x1;
	_ =	shalt  }
.Lfunc_end2:
_tile_overlayer_lowered:
.L_overlay_start_2:
0x4c: {  	(tag) =	ssettag $0x2  }
0x4d: {  	s0 =	rddreg [dreg:$0x0];
	s2 =	stileid.u32  }
0x4e: {  	s1 =	rddreg [dreg:$0x1];
	p0 =	sne.s32 s2, $0x0  }
0x4f: {  	s3 =	rddreg [dreg:$0x2];
	[bflag:$0x3] =	sbarrier.arrive $0xFFFF;
	s2 =	simm.s32 @!p0 $0x1C01  }
0x50: {  	[timem:s3], [sflag:s2] =	dma.local @!p0 [hbm:s0], s1  }
0x51: {  	s0 =	simm.s32 @!p0 $0x1  }
0x52: {  	_ =	swait.ge @!p0 [sflag:s0], s1  }
0x53: {  	s1 =	ssub.s32 @!p0 $0x0, s1;
	[sflag:s0] =	ssyncset.done @!p0 $0x0  }
0x54: {  	[sflag:s0] =	ssyncadd.s32 @!p0 s1  }
0x55: {  	[bflag:$0x3] =	sbarrier.arrive $0xFFFF  }
0x56: {  	_ =	shalt  }

</sc_bundles>
